<compile_context>
chip_gen: v7x
topology: tpu7x:2x2x1
jax: 0.10.2.dev20260603
libtpu: 0.0.44.dev20260713+nightly
codegen_flags: <defaults>
</compile_context>

<pallas_src>
import jax
import jax.numpy as jnp
from jax import lax
from jax.experimental import pallas as pl
from jax.experimental.pallas import tpu as pltpu, tpu_sc as plsc

N_ROWS = 4096
N_COLS = 164
N_HAND = 84
N_OUT = 128
N_TILES = 16
ROWS_PER_TILE = N_ROWS // N_TILES
OUT_PER_TILE = N_OUT // N_TILES
_CHUNKS = (0, 16, 32, 48, 64, 80, 96, 112, 128, 144, 148)
_NAN_LIM = 0x7F800000


def _sc_body(data_hbm, out_hbm,
             blk_v, loclist_v, cnt16_v, cbuf_v, lists_v, obuf_v, cntb_v,
             jlo_v, jhi_v, rows_lo, rows_hi, outbuf_v,
             counts_sh, lists_sh, sem, sem2):
    wid = lax.axis_index("s")
    iota = lax.iota(jnp.int32, 16)

    pltpu.sync_copy(data_hbm.at[pl.ds(wid * (ROWS_PER_TILE // 4),
                                      ROWS_PER_TILE // 4)], blk_v)

    def g_body(g, cnt):
        rowidx = g * 16 + iota
        q = rowidx >> 2
        sub = (rowidx & 3) * N_COLS

        def c_chunk(ci, accs):
            a0, a1, a2, a3 = accs
            accs = [a0, a1, a2, a3]
            base = ci * 12
            for u in range(12):
                v = plsc.load_gather(blk_v, [q, sub + (base + u)])
                mag = plsc.bitcast(v, jnp.int32) & jnp.int32(0x7FFFFFFF)
                absv = plsc.bitcast(mag, jnp.float32)
                accs[u % 4] = accs[u % 4] + jnp.where(mag > _NAN_LIM, 0.0,
                                                      absv)
            return tuple(accs)

        z = jnp.zeros((16,), jnp.float32)
        accs = lax.fori_loop(0, N_HAND // 12, c_chunk, (z, z, z, z))
        acc = (accs[0] + accs[1]) + (accs[2] + accs[3])
        m = acc != 0.0
        tvec = wid * ROWS_PER_TILE + rowidx
        plsc.store_compressed(loclist_v.at[pl.ds(cnt, 16)], tvec, mask=m)
        return cnt + plsc.all_reduce_population_count(m)[0]

    cnt = lax.fori_loop(0, ROWS_PER_TILE // 16, g_body, jnp.int32(0))

    cnt16_v[...] = jnp.full((16,), 0, jnp.int32) + cnt
    pltpu.sync_copy(cnt16_v, counts_sh.at[wid])

    @pl.when(cnt < ROWS_PER_TILE)
    def _publish():
        pltpu.sync_copy(loclist_v.at[pl.ds(0, ROWS_PER_TILE)],
                        lists_sh.at[wid])

    plsc.subcore_barrier()

    pltpu.sync_copy(counts_sh, cbuf_v)

    cvec = plsc.load_gather(cbuf_v, [iota, jnp.zeros((16,), jnp.int32)])
    nn = jnp.sum(cvec)

    @pl.when(nn < N_ROWS)
    def _fetch_lists():
        pltpu.sync_copy(lists_sh, lists_v)

    ends = plsc.cumsum(cvec)
    offs = ends - cvec
    n = nn

    in_w = jnp.maximum(n, N_OUT)
    in_w_f = in_w.astype(jnp.float32)
    scale = in_w_f * (1.0 / N_OUT)
    i_f = (wid * OUT_PER_TILE + iota).astype(jnp.float32)
    src = (i_f + 0.5) * scale - 0.5
    src = jnp.clip(src, 0.0, in_w_f - 1.0)
    lo = src.astype(jnp.int32)
    hi = jnp.minimum(lo + 1, in_w - 1)
    frac = src - lo.astype(jnp.float32)

    def take16(vec, idx):
        return lax.gather(
            vec, idx[:, None],
            dimension_numbers=lax.GatherDimensionNumbers(
                offset_dims=(), collapsed_slice_dims=(0,),
                start_index_map=(0,)),
            slice_sizes=(1,),
            mode=lax.GatherScatterMode.PROMISE_IN_BOUNDS)

    def search(j):
        s = jnp.zeros((16,), jnp.int32)
        for b in (8, 4, 2, 1):
            e = take16(ends, s + (b - 1))
            s = s + b * (e <= j).astype(jnp.int32)
        return s

    s_lo = search(lo)
    s_hi = search(hi)

    obuf_v[...] = offs
    cntb_v[...] = cvec
    loc_lo = jnp.clip(lo - plsc.load_gather(obuf_v, [s_lo]), 0,
                      ROWS_PER_TILE - 1)
    loc_hi = jnp.clip(hi - plsc.load_gather(obuf_v, [s_hi]), 0,
                      ROWS_PER_TILE - 1)
    full_lo = plsc.load_gather(cntb_v, [s_lo]) == ROWS_PER_TILE
    full_hi = plsc.load_gather(cntb_v, [s_hi]) == ROWS_PER_TILE
    t_lo = jnp.where(full_lo, s_lo * ROWS_PER_TILE + loc_lo,
                     plsc.load_gather(lists_v, [s_lo, loc_lo]))
    t_hi = jnp.where(full_hi, s_hi * ROWS_PER_TILE + loc_hi,
                     plsc.load_gather(lists_v, [s_hi, loc_hi]))
    t_lo = jnp.clip(t_lo, 0, N_ROWS - 1)
    t_hi = jnp.clip(t_hi, 0, N_ROWS - 1)
    plsc.store_scatter(jlo_v, [iota], t_lo >> 2, mask=iota < OUT_PER_TILE)
    plsc.store_scatter(jhi_v, [iota], t_hi >> 2, mask=iota < OUT_PER_TILE)
    sub_lo = (t_lo & 3) * N_COLS
    sub_hi = (t_hi & 3) * N_COLS

    c1 = pltpu.async_copy(data_hbm.at[jlo_v], rows_lo, sem)
    c2 = pltpu.async_copy(data_hbm.at[jhi_v], rows_hi, sem2)
    c1.wait()
    c2.wait()

    wlo = jnp.where(lo < n, 1.0 - frac, 0.0)
    whi = jnp.where(hi < n, frac, 0.0)

    slo_k = [sub_lo[k] for k in range(OUT_PER_TILE)]
    shi_k = [sub_hi[k] for k in range(OUT_PER_TILE)]
    wlo_k = [wlo[k] for k in range(OUT_PER_TILE)]
    whi_k = [whi[k] for k in range(OUT_PER_TILE)]

    def blend_chunk(off):
        for k in range(OUT_PER_TILE):
            vl = rows_lo[k, pl.ds(slo_k[k] + off, 16)]
            vh = rows_hi[k, pl.ds(shi_k[k] + off, 16)]
            ml = plsc.bitcast(vl, jnp.int32) & jnp.int32(0x7FFFFFFF)
            mh = plsc.bitcast(vh, jnp.int32) & jnp.int32(0x7FFFFFFF)
            vl = jnp.where(ml > _NAN_LIM, 0.0, vl)
            vh = jnp.where(mh > _NAN_LIM, 0.0, vh)
            outbuf_v[k, pl.ds(off, 16)] = wlo_k[k] * vl + whi_k[k] * vh

    def blend_body(c, carry):
        blend_chunk(c * 16)
        return carry

    lax.fori_loop(0, 10, blend_body, jnp.int32(0))
    blend_chunk(148)

    pltpu.sync_copy(outbuf_v, out_hbm.at[pl.ds(wid * OUT_PER_TILE,
                                               OUT_PER_TILE)])


_SCRATCH = [
    pltpu.VMEM((ROWS_PER_TILE // 4, 4 * N_COLS), jnp.float32),
    pltpu.VMEM((ROWS_PER_TILE + 16,), jnp.int32),
    pltpu.VMEM((16,), jnp.int32),
    pltpu.VMEM((N_TILES, 16), jnp.int32),
    pltpu.VMEM((N_TILES, ROWS_PER_TILE), jnp.int32),
    pltpu.VMEM((16,), jnp.int32),
    pltpu.VMEM((16,), jnp.int32),
    pltpu.VMEM((OUT_PER_TILE,), jnp.int32),
    pltpu.VMEM((OUT_PER_TILE,), jnp.int32),
    pltpu.VMEM((OUT_PER_TILE, 4 * N_COLS), jnp.float32),
    pltpu.VMEM((OUT_PER_TILE, 4 * N_COLS), jnp.float32),
    pltpu.VMEM((OUT_PER_TILE, N_COLS), jnp.float32),
    pltpu.VMEM_SHARED((N_TILES, 16), jnp.int32),
    pltpu.VMEM_SHARED((N_TILES, ROWS_PER_TILE), jnp.int32),
    pltpu.SemaphoreType.DMA,
    pltpu.SemaphoreType.DMA,
]


def _build(interpret=False):
    mesh = plsc.VectorSubcoreMesh(core_axis_name="c", subcore_axis_name="s",
                                  num_cores=1, num_subcores=N_TILES)
    return pl.kernel(
        _sc_body,
        out_type=jax.ShapeDtypeStruct((N_OUT, N_COLS), jnp.float32),
        mesh=mesh,
        scratch_types=_SCRATCH,
        compiler_params=pltpu.CompilerParams(use_tc_tiling_on_sc=False,
                                             needs_layout_passes=False),
        interpret=interpret,
    )


_PREPROC = _build()


@jax.jit
def kernel(data0):
    data2d = data0.reshape(N_ROWS // 4, 4 * N_COLS)
    return _PREPROC(data2d)

# --- scband reference (transcript-rebuilt; emitter-appended) ---
"""Pipeline reference for scband-preprocess-layer-15831249453113 (READ-ONLY COPY).

The authoritative reference and input builder live on the scoring server;
editing this copy changes nothing except your own understanding.
"""

import jax, jax.numpy as jnp
import numpy as np

N_COLS0 = 164
N_TARGET_FRAMES = 128


def _resize_bilinear_1d(x, out_w, in_w=None):
    # Mimics tf.image.resize bilinear (half-pixel centers) on a [1, W, C] 'image'
    # resized to [1, out_w, C]; x here is [W, C].
    if in_w is None:
        in_w = x.shape[0]
    in_w_i = jnp.asarray(in_w, dtype=jnp.int32)
    in_w_f = in_w_i.astype(jnp.float32)
    scale = in_w_f / float(out_w)
    src = (jnp.arange(out_w, dtype=jnp.float32) + 0.5) * scale - 0.5
    src = jnp.clip(src, 0.0, in_w_f - 1.0)
    lo = jnp.floor(src).astype(jnp.int32)
    hi = jnp.minimum(lo + 1, in_w_i - 1)
    frac = (src - lo.astype(jnp.float32))[:, None]
    return jnp.take(x, lo, axis=0) * (1.0 - frac) + jnp.take(x, hi, axis=0) * frac


def setup_inputs(seed: int = 0) -> dict:
    key = jax.random.key(seed)
    data0 = jax.random.normal(key, (1, 4096, N_COLS0), dtype=jnp.float32)
    return {"data0": data0}


def reference(data0):
    # NaN -> 0
    data = jnp.where(jnp.isnan(data0), 0.0, data0)
    # hand columns are the first 84 features
    hands = jnp.abs(data[:, :, :84])
    mask = jnp.sum(hands, axis=2) != 0  # [B, T]
    flat = data.reshape(-1, N_COLS0)  # [B*T, N_COLS0]
    mflat = mask.reshape(-1)  # [B*T]
    n_frames = jnp.sum(mflat.astype(jnp.int32))
    pos = jnp.where(mflat, jnp.cumsum(mflat.astype(jnp.int32)) - 1, flat.shape[0])
    data = jnp.zeros_like(flat).at[pos].set(flat, mode="drop")
    in_w = jnp.maximum(n_frames, N_TARGET_FRAMES)
    # tf.image.resize(data[None], [1, N_TARGET_FRAMES], bilinear) then squeeze(0)
    out = _resize_bilinear_1d(data, N_TARGET_FRAMES, in_w)
    return out

if __name__ == "__main__":
    import jax
    _d = setup_inputs()
    print(jax.jit(kernel)(*tuple(_d.values())))

</pallas_src>

<mosaic_0001>
#map = affine_map<(d0, d1) -> (0, 0)>
module attributes {stable_mosaic.version = 14 : i64} {
  func.func @_sc_body(%arg0: i32, %arg1: i32, %arg2: memref<1024x656xf32, #tpu.memory_space<hbm>>, %arg3: memref<128x164xf32, #tpu.memory_space<hbm>>, %arg4: memref<64x656xf32, #tpu.memory_space<vmem>>, %arg5: memref<272xi32, #tpu.memory_space<vmem>>, %arg6: memref<16xi32, #tpu.memory_space<vmem>>, %arg7: memref<16x16xi32, #tpu.memory_space<vmem>>, %arg8: memref<16x256xi32, #tpu.memory_space<vmem>>, %arg9: memref<16xi32, #tpu.memory_space<vmem>>, %arg10: memref<16xi32, #tpu.memory_space<vmem>>, %arg11: memref<8xi32, #tpu.memory_space<vmem>>, %arg12: memref<8xi32, #tpu.memory_space<vmem>>, %arg13: memref<8x656xf32, #tpu.memory_space<vmem>>, %arg14: memref<8x656xf32, #tpu.memory_space<vmem>>, %arg15: memref<8x164xf32, #tpu.memory_space<vmem>>, %arg16: memref<16x16xi32, #tpu.memory_space<vmem_shared>>, %arg17: memref<16x256xi32, #tpu.memory_space<vmem_shared>>, %arg18: memref<!tpu.dma_semaphore, #tpu.memory_space<semaphore_mem>>, %arg19: memref<!tpu.dma_semaphore, #tpu.memory_space<semaphore_mem>>) attributes {dimension_semantics = [#tpu.dimension_semantics<core_parallel>, #tpu.dimension_semantics<subcore_parallel>], iteration_bounds = array<i64: 1, 16>, scalar_prefetch = 0 : i64, scratch_operands = 16 : i64, tpu.core_type = #tpu.core_type<sc_vector_subcore>, window_params = [{transform_indices = #map}, {transform_indices = #map}]} {
    %iota3A = tpu.iota {dimensions = array<i32: 0>} : vector<16xi32>
    %mul3A = arith.constant 64 : i32
    %mul3A_0 = arith.muli %arg1, %mul3A : i32
    "tpu.region"() ({
      %run_scoped3A = tpu.sem_alloc : memref<!tpu.dma_semaphore, #tpu.memory_space<semaphore_mem>>
      %dma_start3A_645 = arith.constant 0 : i32
      %dma_start3A_646 = tpu.memref_slice %arg2[%mul3A_0, %dma_start3A_645] : memref<1024x656xf32, #tpu.memory_space<hbm>> -> memref<64x656xf32, #tpu.memory_space<hbm>>
      %dma_start3A_647 = arith.constant 0 : i32
      %dma_start3A_648 = tpu.memref_slice %arg2[%mul3A_0, %dma_start3A_647] : memref<1024x656xf32, #tpu.memory_space<hbm>> -> memref<64x656xf32, #tpu.memory_space<hbm>>
      tpu.enqueue_dma source(%dma_start3A_648 : memref<64x656xf32, #tpu.memory_space<hbm>>) target(%arg4 : memref<64x656xf32, #tpu.memory_space<vmem>>) target_semaphore(%run_scoped3A : memref<!tpu.dma_semaphore, #tpu.memory_space<semaphore_mem>>)
      %dma_wait3A_649 = arith.constant 0 : i32
      %dma_wait3A_650 = tpu.memref_slice %arg2[%mul3A_0, %dma_wait3A_649] : memref<1024x656xf32, #tpu.memory_space<hbm>> -> memref<64x656xf32, #tpu.memory_space<hbm>>
      %dma_wait3A_651 = arith.constant 0 : i32
      %dma_wait3A_652 = tpu.memref_slice %arg2[%mul3A_0, %dma_wait3A_651] : memref<1024x656xf32, #tpu.memory_space<hbm>> -> memref<64x656xf32, #tpu.memory_space<hbm>>
      tpu.wait_dma2 semaphore(%run_scoped3A : memref<!tpu.dma_semaphore, #tpu.memory_space<semaphore_mem>>) src(%dma_wait3A_652 : memref<64x656xf32, #tpu.memory_space<hbm>>) dst(%arg4 : memref<64x656xf32, #tpu.memory_space<vmem>>)
      tpu.yield
    }) : () -> ()
    %scan3A = arith.constant 0 : i32
    %scan3A_1 = arith.constant 0 : i32
    %scan3A_2 = arith.constant 16 : i32
    %scan3A_3 = arith.addi %scan3A_1, %scan3A_2 : i32
    %scan3A_4 = arith.constant 1 : i32
    %scan3A_5 = scf.for %scan3A_645 = %scan3A_1 to %scan3A_3 step %scan3A_4 iter_args(%scan3A_646 = %scan3A) -> (i32)  : i32 {
      %mul3A_647 = arith.constant 16 : i32
      %mul3A_648 = arith.muli %scan3A_645, %mul3A_647 : i32
      %add3A_649 = vector.broadcast %mul3A_648 : i32 to vector<16xi32>
      %add3A_650 = arith.addi %add3A_649, %iota3A : vector<16xi32>
      %shift_right_arithmetic3A_651 = arith.constant 2 : i32
      %shift_right_arithmetic3A_652 = vector.broadcast %shift_right_arithmetic3A_651 : i32 to vector<16xi32>
      %shift_right_arithmetic3A_653 = arith.shrsi %add3A_650, %shift_right_arithmetic3A_652 : vector<16xi32>
      %and3A_654 = arith.constant 3 : i32
      %and3A_655 = vector.broadcast %and3A_654 : i32 to vector<16xi32>
      %and3A_656 = arith.andi %add3A_650, %and3A_655 : vector<16xi32>
      %mul3A_657 = arith.constant 164 : i32
      %mul3A_658 = vector.broadcast %mul3A_657 : i32 to vector<16xi32>
      %mul3A_659 = arith.muli %and3A_656, %mul3A_658 : vector<16xi32>
      %broadcast_in_dim3A_660 = arith.constant 0.000000e+00 : f32
      %broadcast_in_dim3A_661 = vector.broadcast %broadcast_in_dim3A_660 : f32 to vector<16xf32>
      %scan3A_662 = arith.constant 0 : i32
      %scan3A_663 = arith.constant 7 : i32
      %scan3A_664 = arith.addi %scan3A_662, %scan3A_663 : i32
      %scan3A_665 = arith.constant 1 : i32
      %scan3A_666:4 = scf.for %scan3A_682 = %scan3A_662 to %scan3A_664 step %scan3A_665 iter_args(%scan3A_683 = %broadcast_in_dim3A_661, %scan3A_684 = %broadcast_in_dim3A_661, %scan3A_685 = %broadcast_in_dim3A_661, %scan3A_686 = %broadcast_in_dim3A_661) -> (vector<16xf32>, vector<16xf32>, vector<16xf32>, vector<16xf32>)  : i32 {
        %mul3A_687 = arith.constant 12 : i32
        %mul3A_688 = arith.muli %scan3A_682, %mul3A_687 : i32
        %add3A_689 = arith.constant 0 : i32
        %add3A_690 = arith.addi %mul3A_688, %add3A_689 : i32
        %add3A_691 = vector.broadcast %add3A_690 : i32 to vector<16xi32>
        %add3A_692 = arith.addi %mul3A_659, %add3A_691 : vector<16xi32>
        %gather3A_693 = tpu.vector_load_idx %arg4[%shift_right_arithmetic3A_653, %add3A_692] : memref<64x656xf32, #tpu.memory_space<vmem>>[vector<16xi32>, vector<16xi32>], vector<16xf32>,
        %bitcast3A_694 = vector.bitcast %gather3A_693 : vector<16xf32> to vector<16xi32>
        %and3A_695 = arith.constant 2147483647 : i32
        %and3A_696 = vector.broadcast %and3A_695 : i32 to vector<16xi32>
        %and3A_697 = arith.andi %bitcast3A_694, %and3A_696 : vector<16xi32>
        %bitcast3A_698 = vector.bitcast %and3A_697 : vector<16xi32> to vector<16xf32>
        %gt3A_699 = arith.constant 2139095040 : i32
        %gt3A_700 = vector.broadcast %gt3A_699 : i32 to vector<16xi32>
        %gt3A_701 = arith.cmpi sgt, %and3A_697, %gt3A_700 : vector<16xi32>
        %jit3A_702 = arith.constant 0.000000e+00 : f32
        %broadcast_in_dim3A_703 = vector.broadcast %jit3A_702 : f32 to vector<16xf32>
        %select_n3A_704 = arith.select %gt3A_701, %broadcast_in_dim3A_703, %bitcast3A_698 : vector<16xi1>, vector<16xf32>
        %add3A_705 = arith.addf %scan3A_683, %select_n3A_704 : vector<16xf32>
        %add3A_706 = arith.constant 1 : i32
        %add3A_707 = arith.addi %mul3A_688, %add3A_706 : i32
        %add3A_708 = vector.broadcast %add3A_707 : i32 to vector<16xi32>
        %add3A_709 = arith.addi %mul3A_659, %add3A_708 : vector<16xi32>
        %gather3A_710 = tpu.vector_load_idx %arg4[%shift_right_arithmetic3A_653, %add3A_709] : memref<64x656xf32, #tpu.memory_space<vmem>>[vector<16xi32>, vector<16xi32>], vector<16xf32>,
        %bitcast3A_711 = vector.bitcast %gather3A_710 : vector<16xf32> to vector<16xi32>
        %and3A_712 = arith.constant 2147483647 : i32
        %and3A_713 = vector.broadcast %and3A_712 : i32 to vector<16xi32>
        %and3A_714 = arith.andi %bitcast3A_711, %and3A_713 : vector<16xi32>
        %bitcast3A_715 = vector.bitcast %and3A_714 : vector<16xi32> to vector<16xf32>
        %gt3A_716 = arith.constant 2139095040 : i32
        %gt3A_717 = vector.broadcast %gt3A_716 : i32 to vector<16xi32>
        %gt3A_718 = arith.cmpi sgt, %and3A_714, %gt3A_717 : vector<16xi32>
        %jit3A_719 = arith.constant 0.000000e+00 : f32
        %broadcast_in_dim3A_720 = vector.broadcast %jit3A_719 : f32 to vector<16xf32>
        %select_n3A_721 = arith.select %gt3A_718, %broadcast_in_dim3A_720, %bitcast3A_715 : vector<16xi1>, vector<16xf32>
        %add3A_722 = arith.addf %scan3A_684, %select_n3A_721 : vector<16xf32>
        %add3A_723 = arith.constant 2 : i32
        %add3A_724 = arith.addi %mul3A_688, %add3A_723 : i32
        %add3A_725 = vector.broadcast %add3A_724 : i32 to vector<16xi32>
        %add3A_726 = arith.addi %mul3A_659, %add3A_725 : vector<16xi32>
        %gather3A_727 = tpu.vector_load_idx %arg4[%shift_right_arithmetic3A_653, %add3A_726] : memref<64x656xf32, #tpu.memory_space<vmem>>[vector<16xi32>, vector<16xi32>], vector<16xf32>,
        %bitcast3A_728 = vector.bitcast %gather3A_727 : vector<16xf32> to vector<16xi32>
        %and3A_729 = arith.constant 2147483647 : i32
        %and3A_730 = vector.broadcast %and3A_729 : i32 to vector<16xi32>
        %and3A_731 = arith.andi %bitcast3A_728, %and3A_730 : vector<16xi32>
        %bitcast3A_732 = vector.bitcast %and3A_731 : vector<16xi32> to vector<16xf32>
        %gt3A_733 = arith.constant 2139095040 : i32
        %gt3A_734 = vector.broadcast %gt3A_733 : i32 to vector<16xi32>
        %gt3A_735 = arith.cmpi sgt, %and3A_731, %gt3A_734 : vector<16xi32>
        %jit3A_736 = arith.constant 0.000000e+00 : f32
        %broadcast_in_dim3A_737 = vector.broadcast %jit3A_736 : f32 to vector<16xf32>
        %select_n3A_738 = arith.select %gt3A_735, %broadcast_in_dim3A_737, %bitcast3A_732 : vector<16xi1>, vector<16xf32>
        %add3A_739 = arith.addf %scan3A_685, %select_n3A_738 : vector<16xf32>
        %add3A_740 = arith.constant 3 : i32
        %add3A_741 = arith.addi %mul3A_688, %add3A_740 : i32
        %add3A_742 = vector.broadcast %add3A_741 : i32 to vector<16xi32>
        %add3A_743 = arith.addi %mul3A_659, %add3A_742 : vector<16xi32>
        %gather3A_744 = tpu.vector_load_idx %arg4[%shift_right_arithmetic3A_653, %add3A_743] : memref<64x656xf32, #tpu.memory_space<vmem>>[vector<16xi32>, vector<16xi32>], vector<16xf32>,
        %bitcast3A_745 = vector.bitcast %gather3A_744 : vector<16xf32> to vector<16xi32>
        %and3A_746 = arith.constant 2147483647 : i32
        %and3A_747 = vector.broadcast %and3A_746 : i32 to vector<16xi32>
        %and3A_748 = arith.andi %bitcast3A_745, %and3A_747 : vector<16xi32>
        %bitcast3A_749 = vector.bitcast %and3A_748 : vector<16xi32> to vector<16xf32>
        %gt3A_750 = arith.constant 2139095040 : i32
        %gt3A_751 = vector.broadcast %gt3A_750 : i32 to vector<16xi32>
        %gt3A_752 = arith.cmpi sgt, %and3A_748, %gt3A_751 : vector<16xi32>
        %jit3A_753 = arith.constant 0.000000e+00 : f32
        %broadcast_in_dim3A_754 = vector.broadcast %jit3A_753 : f32 to vector<16xf32>
        %select_n3A_755 = arith.select %gt3A_752, %broadcast_in_dim3A_754, %bitcast3A_749 : vector<16xi1>, vector<16xf32>
        %add3A_756 = arith.addf %scan3A_686, %select_n3A_755 : vector<16xf32>
        %add3A_757 = arith.constant 4 : i32
        %add3A_758 = arith.addi %mul3A_688, %add3A_757 : i32
        %add3A_759 = vector.broadcast %add3A_758 : i32 to vector<16xi32>
        %add3A_760 = arith.addi %mul3A_659, %add3A_759 : vector<16xi32>
        %gather3A_761 = tpu.vector_load_idx %arg4[%shift_right_arithmetic3A_653, %add3A_760] : memref<64x656xf32, #tpu.memory_space<vmem>>[vector<16xi32>, vector<16xi32>], vector<16xf32>,
        %bitcast3A_762 = vector.bitcast %gather3A_761 : vector<16xf32> to vector<16xi32>
        %and3A_763 = arith.constant 2147483647 : i32
        %and3A_764 = vector.broadcast %and3A_763 : i32 to vector<16xi32>
        %and3A_765 = arith.andi %bitcast3A_762, %and3A_764 : vector<16xi32>
        %bitcast3A_766 = vector.bitcast %and3A_765 : vector<16xi32> to vector<16xf32>
        %gt3A_767 = arith.constant 2139095040 : i32
        %gt3A_768 = vector.broadcast %gt3A_767 : i32 to vector<16xi32>
        %gt3A_769 = arith.cmpi sgt, %and3A_765, %gt3A_768 : vector<16xi32>
        %jit3A_770 = arith.constant 0.000000e+00 : f32
        %broadcast_in_dim3A_771 = vector.broadcast %jit3A_770 : f32 to vector<16xf32>
        %select_n3A_772 = arith.select %gt3A_769, %broadcast_in_dim3A_771, %bitcast3A_766 : vector<16xi1>, vector<16xf32>
        %add3A_773 = arith.addf %add3A_705, %select_n3A_772 : vector<16xf32>
        %add3A_774 = arith.constant 5 : i32
        %add3A_775 = arith.addi %mul3A_688, %add3A_774 : i32
        %add3A_776 = vector.broadcast %add3A_775 : i32 to vector<16xi32>
        %add3A_777 = arith.addi %mul3A_659, %add3A_776 : vector<16xi32>
        %gather3A_778 = tpu.vector_load_idx %arg4[%shift_right_arithmetic3A_653, %add3A_777] : memref<64x656xf32, #tpu.memory_space<vmem>>[vector<16xi32>, vector<16xi32>], vector<16xf32>,
        %bitcast3A_779 = vector.bitcast %gather3A_778 : vector<16xf32> to vector<16xi32>
        %and3A_780 = arith.constant 2147483647 : i32
        %and3A_781 = vector.broadcast %and3A_780 : i32 to vector<16xi32>
        %and3A_782 = arith.andi %bitcast3A_779, %and3A_781 : vector<16xi32>
        %bitcast3A_783 = vector.bitcast %and3A_782 : vector<16xi32> to vector<16xf32>
        %gt3A_784 = arith.constant 2139095040 : i32
        %gt3A_785 = vector.broadcast %gt3A_784 : i32 to vector<16xi32>
        %gt3A_786 = arith.cmpi sgt, %and3A_782, %gt3A_785 : vector<16xi32>
        %jit3A_787 = arith.constant 0.000000e+00 : f32
        %broadcast_in_dim3A_788 = vector.broadcast %jit3A_787 : f32 to vector<16xf32>
        %select_n3A_789 = arith.select %gt3A_786, %broadcast_in_dim3A_788, %bitcast3A_783 : vector<16xi1>, vector<16xf32>
        %add3A_790 = arith.addf %add3A_722, %select_n3A_789 : vector<16xf32>
        %add3A_791 = arith.constant 6 : i32
        %add3A_792 = arith.addi %mul3A_688, %add3A_791 : i32
        %add3A_793 = vector.broadcast %add3A_792 : i32 to vector<16xi32>
        %add3A_794 = arith.addi %mul3A_659, %add3A_793 : vector<16xi32>
        %gather3A_795 = tpu.vector_load_idx %arg4[%shift_right_arithmetic3A_653, %add3A_794] : memref<64x656xf32, #tpu.memory_space<vmem>>[vector<16xi32>, vector<16xi32>], vector<16xf32>,
        %bitcast3A_796 = vector.bitcast %gather3A_795 : vector<16xf32> to vector<16xi32>
        %and3A_797 = arith.constant 2147483647 : i32
        %and3A_798 = vector.broadcast %and3A_797 : i32 to vector<16xi32>
        %and3A_799 = arith.andi %bitcast3A_796, %and3A_798 : vector<16xi32>
        %bitcast3A_800 = vector.bitcast %and3A_799 : vector<16xi32> to vector<16xf32>
        %gt3A_801 = arith.constant 2139095040 : i32
        %gt3A_802 = vector.broadcast %gt3A_801 : i32 to vector<16xi32>
        %gt3A_803 = arith.cmpi sgt, %and3A_799, %gt3A_802 : vector<16xi32>
        %jit3A_804 = arith.constant 0.000000e+00 : f32
        %broadcast_in_dim3A_805 = vector.broadcast %jit3A_804 : f32 to vector<16xf32>
        %select_n3A_806 = arith.select %gt3A_803, %broadcast_in_dim3A_805, %bitcast3A_800 : vector<16xi1>, vector<16xf32>
        %add3A_807 = arith.addf %add3A_739, %select_n3A_806 : vector<16xf32>
        %add3A_808 = arith.constant 7 : i32
        %add3A_809 = arith.addi %mul3A_688, %add3A_808 : i32
        %add3A_810 = vector.broadcast %add3A_809 : i32 to vector<16xi32>
        %add3A_811 = arith.addi %mul3A_659, %add3A_810 : vector<16xi32>
        %gather3A_812 = tpu.vector_load_idx %arg4[%shift_right_arithmetic3A_653, %add3A_811] : memref<64x656xf32, #tpu.memory_space<vmem>>[vector<16xi32>, vector<16xi32>], vector<16xf32>,
        %bitcast3A_813 = vector.bitcast %gather3A_812 : vector<16xf32> to vector<16xi32>
        %and3A_814 = arith.constant 2147483647 : i32
        %and3A_815 = vector.broadcast %and3A_814 : i32 to vector<16xi32>
        %and3A_816 = arith.andi %bitcast3A_813, %and3A_815 : vector<16xi32>
        %bitcast3A_817 = vector.bitcast %and3A_816 : vector<16xi32> to vector<16xf32>
        %gt3A_818 = arith.constant 2139095040 : i32
        %gt3A_819 = vector.broadcast %gt3A_818 : i32 to vector<16xi32>
        %gt3A_820 = arith.cmpi sgt, %and3A_816, %gt3A_819 : vector<16xi32>
        %jit3A_821 = arith.constant 0.000000e+00 : f32
        %broadcast_in_dim3A_822 = vector.broadcast %jit3A_821 : f32 to vector<16xf32>
        %select_n3A_823 = arith.select %gt3A_820, %broadcast_in_dim3A_822, %bitcast3A_817 : vector<16xi1>, vector<16xf32>
        %add3A_824 = arith.addf %add3A_756, %select_n3A_823 : vector<16xf32>
        %add3A_825 = arith.constant 8 : i32
        %add3A_826 = arith.addi %mul3A_688, %add3A_825 : i32
        %add3A_827 = vector.broadcast %add3A_826 : i32 to vector<16xi32>
        %add3A_828 = arith.addi %mul3A_659, %add3A_827 : vector<16xi32>
        %gather3A_829 = tpu.vector_load_idx %arg4[%shift_right_arithmetic3A_653, %add3A_828] : memref<64x656xf32, #tpu.memory_space<vmem>>[vector<16xi32>, vector<16xi32>], vector<16xf32>,
        %bitcast3A_830 = vector.bitcast %gather3A_829 : vector<16xf32> to vector<16xi32>
        %and3A_831 = arith.constant 2147483647 : i32
        %and3A_832 = vector.broadcast %and3A_831 : i32 to vector<16xi32>
        %and3A_833 = arith.andi %bitcast3A_830, %and3A_832 : vector<16xi32>
        %bitcast3A_834 = vector.bitcast %and3A_833 : vector<16xi32> to vector<16xf32>
        %gt3A_835 = arith.constant 2139095040 : i32
        %gt3A_836 = vector.broadcast %gt3A_835 : i32 to vector<16xi32>
        %gt3A_837 = arith.cmpi sgt, %and3A_833, %gt3A_836 : vector<16xi32>
        %jit3A_838 = arith.constant 0.000000e+00 : f32
        %broadcast_in_dim3A_839 = vector.broadcast %jit3A_838 : f32 to vector<16xf32>
        %select_n3A_840 = arith.select %gt3A_837, %broadcast_in_dim3A_839, %bitcast3A_834 : vector<16xi1>, vector<16xf32>
        %add3A_841 = arith.addf %add3A_773, %select_n3A_840 : vector<16xf32>
        %add3A_842 = arith.constant 9 : i32
        %add3A_843 = arith.addi %mul3A_688, %add3A_842 : i32
        %add3A_844 = vector.broadcast %add3A_843 : i32 to vector<16xi32>
        %add3A_845 = arith.addi %mul3A_659, %add3A_844 : vector<16xi32>
        %gather3A_846 = tpu.vector_load_idx %arg4[%shift_right_arithmetic3A_653, %add3A_845] : memref<64x656xf32, #tpu.memory_space<vmem>>[vector<16xi32>, vector<16xi32>], vector<16xf32>,
        %bitcast3A_847 = vector.bitcast %gather3A_846 : vector<16xf32> to vector<16xi32>
        %and3A_848 = arith.constant 2147483647 : i32
        %and3A_849 = vector.broadcast %and3A_848 : i32 to vector<16xi32>
        %and3A_850 = arith.andi %bitcast3A_847, %and3A_849 : vector<16xi32>
        %bitcast3A_851 = vector.bitcast %and3A_850 : vector<16xi32> to vector<16xf32>
        %gt3A_852 = arith.constant 2139095040 : i32
        %gt3A_853 = vector.broadcast %gt3A_852 : i32 to vector<16xi32>
        %gt3A_854 = arith.cmpi sgt, %and3A_850, %gt3A_853 : vector<16xi32>
        %jit3A_855 = arith.constant 0.000000e+00 : f32
        %broadcast_in_dim3A_856 = vector.broadcast %jit3A_855 : f32 to vector<16xf32>
        %select_n3A_857 = arith.select %gt3A_854, %broadcast_in_dim3A_856, %bitcast3A_851 : vector<16xi1>, vector<16xf32>
        %add3A_858 = arith.addf %add3A_790, %select_n3A_857 : vector<16xf32>
        %add3A_859 = arith.constant 10 : i32
        %add3A_860 = arith.addi %mul3A_688, %add3A_859 : i32
        %add3A_861 = vector.broadcast %add3A_860 : i32 to vector<16xi32>
        %add3A_862 = arith.addi %mul3A_659, %add3A_861 : vector<16xi32>
        %gather3A_863 = tpu.vector_load_idx %arg4[%shift_right_arithmetic3A_653, %add3A_862] : memref<64x656xf32, #tpu.memory_space<vmem>>[vector<16xi32>, vector<16xi32>], vector<16xf32>,
        %bitcast3A_864 = vector.bitcast %gather3A_863 : vector<16xf32> to vector<16xi32>
        %and3A_865 = arith.constant 2147483647 : i32
        %and3A_866 = vector.broadcast %and3A_865 : i32 to vector<16xi32>
        %and3A_867 = arith.andi %bitcast3A_864, %and3A_866 : vector<16xi32>
        %bitcast3A_868 = vector.bitcast %and3A_867 : vector<16xi32> to vector<16xf32>
        %gt3A_869 = arith.constant 2139095040 : i32
        %gt3A_870 = vector.broadcast %gt3A_869 : i32 to vector<16xi32>
        %gt3A_871 = arith.cmpi sgt, %and3A_867, %gt3A_870 : vector<16xi32>
        %jit3A_872 = arith.constant 0.000000e+00 : f32
        %broadcast_in_dim3A_873 = vector.broadcast %jit3A_872 : f32 to vector<16xf32>
        %select_n3A_874 = arith.select %gt3A_871, %broadcast_in_dim3A_873, %bitcast3A_868 : vector<16xi1>, vector<16xf32>
        %add3A_875 = arith.addf %add3A_807, %select_n3A_874 : vector<16xf32>
        %add3A_876 = arith.constant 11 : i32
        %add3A_877 = arith.addi %mul3A_688, %add3A_876 : i32
        %add3A_878 = vector.broadcast %add3A_877 : i32 to vector<16xi32>
        %add3A_879 = arith.addi %mul3A_659, %add3A_878 : vector<16xi32>
        %gather3A_880 = tpu.vector_load_idx %arg4[%shift_right_arithmetic3A_653, %add3A_879] : memref<64x656xf32, #tpu.memory_space<vmem>>[vector<16xi32>, vector<16xi32>], vector<16xf32>,
        %bitcast3A_881 = vector.bitcast %gather3A_880 : vector<16xf32> to vector<16xi32>
        %and3A_882 = arith.constant 2147483647 : i32
        %and3A_883 = vector.broadcast %and3A_882 : i32 to vector<16xi32>
        %and3A_884 = arith.andi %bitcast3A_881, %and3A_883 : vector<16xi32>
        %bitcast3A_885 = vector.bitcast %and3A_884 : vector<16xi32> to vector<16xf32>
        %gt3A_886 = arith.constant 2139095040 : i32
        %gt3A_887 = vector.broadcast %gt3A_886 : i32 to vector<16xi32>
        %gt3A_888 = arith.cmpi sgt, %and3A_884, %gt3A_887 : vector<16xi32>
        %jit3A_889 = arith.constant 0.000000e+00 : f32
        %broadcast_in_dim3A_890 = vector.broadcast %jit3A_889 : f32 to vector<16xf32>
        %select_n3A_891 = arith.select %gt3A_888, %broadcast_in_dim3A_890, %bitcast3A_885 : vector<16xi1>, vector<16xf32>
        %add3A_892 = arith.addf %add3A_824, %select_n3A_891 : vector<16xf32>
        scf.yield %add3A_841, %add3A_858, %add3A_875, %add3A_892 : vector<16xf32>, vector<16xf32>, vector<16xf32>, vector<16xf32>
      }
      %scan3A_667 = arith.constant 7 : i32
      %add3A_668 = arith.addf %scan3A_666#0, %scan3A_666#1 : vector<16xf32>
      %add3A_669 = arith.addf %scan3A_666#2, %scan3A_666#3 : vector<16xf32>
      %add3A_670 = arith.addf %add3A_668, %add3A_669 : vector<16xf32>
      %ne3A = arith.constant 0.000000e+00 : f32
      %ne3A_671 = vector.broadcast %ne3A : f32 to vector<16xf32>
      %ne3A_672 = arith.cmpf one, %add3A_670, %ne3A_671 : vector<16xf32>
      %mul3A_673 = arith.constant 256 : i32
      %mul3A_674 = arith.muli %arg1, %mul3A_673 : i32
      %add3A_675 = vector.broadcast %mul3A_674 : i32 to vector<16xi32>
      %add3A_676 = arith.addi %add3A_675, %add3A_650 : vector<16xi32>
      %swap3A_677 = arith.index_cast %scan3A_646 : i32 to index
      %swap3A_678 = tpu.vector_load %arg5[%swap3A_677] masked %ne3A_672 {strides = array<i32>} : memref<272xi32, #tpu.memory_space<vmem>>, vector<16xi32>, vector<16xi1>
      tpu.vector_store %arg5[%swap3A_677], %add3A_676 masked %ne3A_672 {strides = array<i32>} : memref<272xi32, #tpu.memory_space<vmem>>, vector<16xi32>, vector<16xi1>
      %all_reduce_population_count3A = tpu.all_reduce %ne3A_672 {dim = 0 : i64, kind = #tpu.reduction_kind<sum>} : vector<16xi1> -> vector<16xi32>
      %slice3A_679 = vector.extract_strided_slice %all_reduce_population_count3A {offsets = [0], sizes = [1], strides = [1]} : vector<16xi32> to vector<1xi32>
      %squeeze3A_680 = vector.extract %slice3A_679[0] : i32 from vector<1xi32>
      %add3A_681 = arith.addi %scan3A_646, %squeeze3A_680 : i32
      scf.yield %add3A_681 : i32
    }
    %scan3A_6 = arith.constant 16 : i32
    %broadcast_in_dim3A = arith.constant 0 : i32
    %broadcast_in_dim3A_7 = vector.broadcast %broadcast_in_dim3A : i32 to vector<16xi32>
    %add3A = vector.broadcast %scan3A_5 : i32 to vector<16xi32>
    %add3A_8 = arith.addi %broadcast_in_dim3A_7, %add3A : vector<16xi32>
    %swap3A = arith.constant 0 : index
    %swap3A_9 = tpu.vector_load %arg6[%swap3A] {strides = array<i32>} : memref<16xi32, #tpu.memory_space<vmem>>, vector<16xi32>,
    tpu.vector_store %arg6[%swap3A], %add3A_8 {strides = array<i32>} : memref<16xi32, #tpu.memory_space<vmem>>, vector<16xi32>,
    "tpu.region"() ({
      %run_scoped3A = tpu.sem_alloc : memref<!tpu.dma_semaphore, #tpu.memory_space<semaphore_mem>>
      %dma_start3A_645 = arith.constant 0 : i32
      %dma_start3A_646 = tpu.memref_slice %arg16[%arg1, %dma_start3A_645] : memref<16x16xi32, #tpu.memory_space<vmem_shared>> -> memref<1x16xi32, #tpu.memory_space<vmem_shared>>
      %dma_start3A_647 = tpu.memref_squeeze %dma_start3A_646 : memref<1x16xi32, #tpu.memory_space<vmem_shared>> -> memref<16xi32, #tpu.memory_space<vmem_shared>>
      %dma_start3A_648 = arith.constant 0 : i32
      %dma_start3A_649 = tpu.memref_slice %arg16[%arg1, %dma_start3A_648] : memref<16x16xi32, #tpu.memory_space<vmem_shared>> -> memref<1x16xi32, #tpu.memory_space<vmem_shared>>
      %dma_start3A_650 = tpu.memref_squeeze %dma_start3A_649 : memref<1x16xi32, #tpu.memory_space<vmem_shared>> -> memref<16xi32, #tpu.memory_space<vmem_shared>>
      tpu.enqueue_dma source(%arg6 : memref<16xi32, #tpu.memory_space<vmem>>) target(%dma_start3A_650 : memref<16xi32, #tpu.memory_space<vmem_shared>>) target_semaphore(%run_scoped3A : memref<!tpu.dma_semaphore, #tpu.memory_space<semaphore_mem>>)
      %dma_wait3A_651 = arith.constant 0 : i32
      %dma_wait3A_652 = tpu.memref_slice %arg16[%arg1, %dma_wait3A_651] : memref<16x16xi32, #tpu.memory_space<vmem_shared>> -> memref<1x16xi32, #tpu.memory_space<vmem_shared>>
      %dma_wait3A_653 = tpu.memref_squeeze %dma_wait3A_652 : memref<1x16xi32, #tpu.memory_space<vmem_shared>> -> memref<16xi32, #tpu.memory_space<vmem_shared>>
      %dma_wait3A_654 = arith.constant 0 : i32
      %dma_wait3A_655 = tpu.memref_slice %arg16[%arg1, %dma_wait3A_654] : memref<16x16xi32, #tpu.memory_space<vmem_shared>> -> memref<1x16xi32, #tpu.memory_space<vmem_shared>>
      %dma_wait3A_656 = tpu.memref_squeeze %dma_wait3A_655 : memref<1x16xi32, #tpu.memory_space<vmem_shared>> -> memref<16xi32, #tpu.memory_space<vmem_shared>>
      tpu.wait_dma2 semaphore(%run_scoped3A : memref<!tpu.dma_semaphore, #tpu.memory_space<semaphore_mem>>) src(%arg6 : memref<16xi32, #tpu.memory_space<vmem>>) dst(%dma_wait3A_656 : memref<16xi32, #tpu.memory_space<vmem_shared>>)
      tpu.yield
    }) : () -> ()
    %lt3A = arith.constant 256 : i32
    %lt3A_10 = arith.cmpi slt, %scan3A_5, %lt3A : i32
    %convert_element_type3A = arith.extui %lt3A_10 : i1 to i32
    %cond3A = arith.constant 0 : i32
    %cond3A_11 = arith.cmpi ne, %convert_element_type3A, %cond3A : i32
    scf.if %cond3A_11 {
      "tpu.region"() ({
        %run_scoped3A = tpu.sem_alloc : memref<!tpu.dma_semaphore, #tpu.memory_space<semaphore_mem>>
        %dma_start3A_645 = arith.constant 0 : i32
        %dma_start3A_646 = tpu.memref_slice %arg5[%dma_start3A_645] : memref<272xi32, #tpu.memory_space<vmem>> -> memref<256xi32, #tpu.memory_space<vmem>>
        %dma_start3A_647 = arith.constant 0 : i32
        %dma_start3A_648 = tpu.memref_slice %arg17[%arg1, %dma_start3A_647] : memref<16x256xi32, #tpu.memory_space<vmem_shared>> -> memref<1x256xi32, #tpu.memory_space<vmem_shared>>
        %dma_start3A_649 = tpu.memref_squeeze %dma_start3A_648 : memref<1x256xi32, #tpu.memory_space<vmem_shared>> -> memref<256xi32, #tpu.memory_space<vmem_shared>>
        %dma_start3A_650 = arith.constant 0 : i32
        %dma_start3A_651 = tpu.memref_slice %arg17[%arg1, %dma_start3A_650] : memref<16x256xi32, #tpu.memory_space<vmem_shared>> -> memref<1x256xi32, #tpu.memory_space<vmem_shared>>
        %dma_start3A_652 = tpu.memref_squeeze %dma_start3A_651 : memref<1x256xi32, #tpu.memory_space<vmem_shared>> -> memref<256xi32, #tpu.memory_space<vmem_shared>>
        %dma_start3A_653 = arith.constant 0 : i32
        %dma_start3A_654 = tpu.memref_slice %arg5[%dma_start3A_653] : memref<272xi32, #tpu.memory_space<vmem>> -> memref<256xi32, #tpu.memory_space<vmem>>
        tpu.enqueue_dma source(%dma_start3A_654 : memref<256xi32, #tpu.memory_space<vmem>>) target(%dma_start3A_652 : memref<256xi32, #tpu.memory_space<vmem_shared>>) target_semaphore(%run_scoped3A : memref<!tpu.dma_semaphore, #tpu.memory_space<semaphore_mem>>)
        %dma_wait3A_655 = arith.constant 0 : i32
        %dma_wait3A_656 = tpu.memref_slice %arg5[%dma_wait3A_655] : memref<272xi32, #tpu.memory_space<vmem>> -> memref<256xi32, #tpu.memory_space<vmem>>
        %dma_wait3A_657 = arith.constant 0 : i32
        %dma_wait3A_658 = tpu.memref_slice %arg17[%arg1, %dma_wait3A_657] : memref<16x256xi32, #tpu.memory_space<vmem_shared>> -> memref<1x256xi32, #tpu.memory_space<vmem_shared>>
        %dma_wait3A_659 = tpu.memref_squeeze %dma_wait3A_658 : memref<1x256xi32, #tpu.memory_space<vmem_shared>> -> memref<256xi32, #tpu.memory_space<vmem_shared>>
        %dma_wait3A_660 = arith.constant 0 : i32
        %dma_wait3A_661 = tpu.memref_slice %arg17[%arg1, %dma_wait3A_660] : memref<16x256xi32, #tpu.memory_space<vmem_shared>> -> memref<1x256xi32, #tpu.memory_space<vmem_shared>>
        %dma_wait3A_662 = tpu.memref_squeeze %dma_wait3A_661 : memref<1x256xi32, #tpu.memory_space<vmem_shared>> -> memref<256xi32, #tpu.memory_space<vmem_shared>>
        %dma_wait3A_663 = arith.constant 0 : i32
        %dma_wait3A_664 = tpu.memref_slice %arg5[%dma_wait3A_663] : memref<272xi32, #tpu.memory_space<vmem>> -> memref<256xi32, #tpu.memory_space<vmem>>
        tpu.wait_dma2 semaphore(%run_scoped3A : memref<!tpu.dma_semaphore, #tpu.memory_space<semaphore_mem>>) src(%dma_wait3A_664 : memref<256xi32, #tpu.memory_space<vmem>>) dst(%dma_wait3A_662 : memref<256xi32, #tpu.memory_space<vmem_shared>>)
        tpu.yield
      }) : () -> ()
    } else {
    }
    %barrier3A = arith.constant 0 : index
    tpu.barrier barrier_id(%barrier3A)
    "tpu.region"() ({
      %run_scoped3A = tpu.sem_alloc : memref<!tpu.dma_semaphore, #tpu.memory_space<semaphore_mem>>
      tpu.enqueue_dma source(%arg16 : memref<16x16xi32, #tpu.memory_space<vmem_shared>>) target(%arg7 : memref<16x16xi32, #tpu.memory_space<vmem>>) target_semaphore(%run_scoped3A : memref<!tpu.dma_semaphore, #tpu.memory_space<semaphore_mem>>)
      tpu.wait_dma2 semaphore(%run_scoped3A : memref<!tpu.dma_semaphore, #tpu.memory_space<semaphore_mem>>) src(%arg16 : memref<16x16xi32, #tpu.memory_space<vmem_shared>>) dst(%arg7 : memref<16x16xi32, #tpu.memory_space<vmem>>)
      tpu.yield
    }) : () -> ()
    %broadcast_in_dim3A_12 = arith.constant 0 : i32
    %broadcast_in_dim3A_13 = vector.broadcast %broadcast_in_dim3A_12 : i32 to vector<16xi32>
    %gather3A = tpu.vector_load_idx %arg7[%iota3A, %broadcast_in_dim3A_13] : memref<16x16xi32, #tpu.memory_space<vmem>>[vector<16xi32>, vector<16xi32>], vector<16xi32>,
    %reduce_sum3A = arith.constant true
    %reduce_sum3A_14 = vector.broadcast %reduce_sum3A : i1 to vector<16xi1>
    %reduce_sum3A_15 = tpu.scan <sum>, %gather3A masked %reduce_sum3A_14 : vector<16xi32>, vector<16xi1> -> vector<16xi32>
    %reduce_sum3A_16 = vector.extract %reduce_sum3A_15[15] : i32 from vector<16xi32>
    %lt3A_17 = arith.constant 4096 : i32
    %lt3A_18 = arith.cmpi slt, %reduce_sum3A_16, %lt3A_17 : i32
    %convert_element_type3A_19 = arith.extui %lt3A_18 : i1 to i32
    %cond3A_20 = arith.constant 0 : i32
    %cond3A_21 = arith.cmpi ne, %convert_element_type3A_19, %cond3A_20 : i32
    scf.if %cond3A_21 {
      "tpu.region"() ({
        %run_scoped3A = tpu.sem_alloc : memref<!tpu.dma_semaphore, #tpu.memory_space<semaphore_mem>>
        tpu.enqueue_dma source(%arg17 : memref<16x256xi32, #tpu.memory_space<vmem_shared>>) target(%arg8 : memref<16x256xi32, #tpu.memory_space<vmem>>) target_semaphore(%run_scoped3A : memref<!tpu.dma_semaphore, #tpu.memory_space<semaphore_mem>>)
        tpu.wait_dma2 semaphore(%run_scoped3A : memref<!tpu.dma_semaphore, #tpu.memory_space<semaphore_mem>>) src(%arg17 : memref<16x256xi32, #tpu.memory_space<vmem_shared>>) dst(%arg8 : memref<16x256xi32, #tpu.memory_space<vmem>>)
        tpu.yield
      }) : () -> ()
    } else {
    }
    %broadcast_in_dim3A_22 = arith.constant true
    %broadcast_in_dim3A_23 = vector.broadcast %broadcast_in_dim3A_22 : i1 to vector<16xi1>
    %masked_cumsum3A = tpu.scan <sum>, %gather3A masked %broadcast_in_dim3A_23 : vector<16xi32>, vector<16xi1> -> vector<16xi32>
    %sub3A = arith.subi %masked_cumsum3A, %gather3A : vector<16xi32>
    %max3A = arith.constant 128 : i32
    %max3A_24 = arith.maxsi %reduce_sum3A_16, %max3A : i32
    %convert_element_type3A_25 = arith.sitofp %max3A_24 : i32 to f32
    %mul3A_26 = arith.constant 7.812500e-03 : f32
    %mul3A_27 = arith.mulf %convert_element_type3A_25, %mul3A_26 : f32
    %mul3A_28 = arith.constant 8 : i32
    %mul3A_29 = arith.muli %arg1, %mul3A_28 : i32
    %add3A_30 = vector.broadcast %mul3A_29 : i32 to vector<16xi32>
    %add3A_31 = arith.addi %add3A_30, %iota3A : vector<16xi32>
    %convert_element_type3A_32 = arith.sitofp %add3A_31 : vector<16xi32> to vector<16xf32>
    %add3A_33 = arith.constant 5.000000e-01 : f32
    %add3A_34 = vector.broadcast %add3A_33 : f32 to vector<16xf32>
    %add3A_35 = arith.addf %convert_element_type3A_32, %add3A_34 : vector<16xf32>
    %mul3A_36 = vector.broadcast %mul3A_27 : f32 to vector<16xf32>
    %mul3A_37 = arith.mulf %add3A_35, %mul3A_36 : vector<16xf32>
    %sub3A_38 = arith.constant 5.000000e-01 : f32
    %sub3A_39 = vector.broadcast %sub3A_38 : f32 to vector<16xf32>
    %sub3A_40 = arith.subf %mul3A_37, %sub3A_39 : vector<16xf32>
    %sub3A_41 = arith.constant 1.000000e+00 : f32
    %sub3A_42 = arith.subf %convert_element_type3A_25, %sub3A_41 : f32
    %jit3A = arith.constant 0.000000e+00 : f32
    %max3A_43 = vector.broadcast %jit3A : f32 to vector<16xf32>
    %max3A_44 = arith.maximumf %max3A_43, %sub3A_40 : vector<16xf32>
    %min3A = vector.broadcast %sub3A_42 : f32 to vector<16xf32>
    %min3A_45 = arith.minimumf %min3A, %max3A_44 : vector<16xf32>
    %convert_element_type3A_46 = arith.fptosi %min3A_45 : vector<16xf32> to vector<16xi32>
    %add3A_47 = arith.constant 1 : i32
    %add3A_48 = vector.broadcast %add3A_47 : i32 to vector<16xi32>
    %add3A_49 = arith.addi %convert_element_type3A_46, %add3A_48 : vector<16xi32>
    %sub3A_50 = arith.constant 1 : i32
    %sub3A_51 = arith.subi %max3A_24, %sub3A_50 : i32
    %min3A_52 = vector.broadcast %sub3A_51 : i32 to vector<16xi32>
    %min3A_53 = arith.minsi %add3A_49, %min3A_52 : vector<16xi32>
    %convert_element_type3A_54 = arith.sitofp %convert_element_type3A_46 : vector<16xi32> to vector<16xf32>
    %sub3A_55 = arith.subf %min3A_45, %convert_element_type3A_54 : vector<16xf32>
    %broadcast_in_dim3A_56 = arith.constant 0 : i32
    %broadcast_in_dim3A_57 = vector.broadcast %broadcast_in_dim3A_56 : i32 to vector<16xi32>
    %add3A_58 = arith.constant 7 : i32
    %add3A_59 = vector.broadcast %add3A_58 : i32 to vector<16xi32>
    %add3A_60 = arith.addi %broadcast_in_dim3A_57, %add3A_59 : vector<16xi32>
    %broadcast_in_dim3A_61 = vector.shape_cast %add3A_60 : vector<16xi32> to vector<16x1xi32>
    %gather3A_62 = vector.shape_cast %broadcast_in_dim3A_61 : vector<16x1xi32> to vector<16xi32>
    %gather3A_63 = tpu.dynamic_gather %masked_cumsum3A[%gather3A_62] in [0] : vector<16xi32>, vector<16xi32> -> vector<16xi32>
    %le3A = arith.cmpi sle, %gather3A_63, %convert_element_type3A_46 : vector<16xi32>
    %convert_element_type3A_64 = arith.extui %le3A : vector<16xi1> to vector<16xi32>
    %mul3A_65 = arith.constant 8 : i32
    %mul3A_66 = vector.broadcast %mul3A_65 : i32 to vector<16xi32>
    %mul3A_67 = arith.muli %mul3A_66, %convert_element_type3A_64 : vector<16xi32>
    %add3A_68 = arith.addi %broadcast_in_dim3A_57, %mul3A_67 : vector<16xi32>
    %add3A_69 = arith.constant 3 : i32
    %add3A_70 = vector.broadcast %add3A_69 : i32 to vector<16xi32>
    %add3A_71 = arith.addi %add3A_68, %add3A_70 : vector<16xi32>
    %broadcast_in_dim3A_72 = vector.shape_cast %add3A_71 : vector<16xi32> to vector<16x1xi32>
    %gather3A_73 = vector.shape_cast %broadcast_in_dim3A_72 : vector<16x1xi32> to vector<16xi32>
    %gather3A_74 = tpu.dynamic_gather %masked_cumsum3A[%gather3A_73] in [0] : vector<16xi32>, vector<16xi32> -> vector<16xi32>
    %le3A_75 = arith.cmpi sle, %gather3A_74, %convert_element_type3A_46 : vector<16xi32>
    %convert_element_type3A_76 = arith.extui %le3A_75 : vector<16xi1> to vector<16xi32>
    %mul3A_77 = arith.constant 4 : i32
    %mul3A_78 = vector.broadcast %mul3A_77 : i32 to vector<16xi32>
    %mul3A_79 = arith.muli %mul3A_78, %convert_element_type3A_76 : vector<16xi32>
    %add3A_80 = arith.addi %add3A_68, %mul3A_79 : vector<16xi32>
    %add3A_81 = arith.constant 1 : i32
    %add3A_82 = vector.broadcast %add3A_81 : i32 to vector<16xi32>
    %add3A_83 = arith.addi %add3A_80, %add3A_82 : vector<16xi32>
    %broadcast_in_dim3A_84 = vector.shape_cast %add3A_83 : vector<16xi32> to vector<16x1xi32>
    %gather3A_85 = vector.shape_cast %broadcast_in_dim3A_84 : vector<16x1xi32> to vector<16xi32>
    %gather3A_86 = tpu.dynamic_gather %masked_cumsum3A[%gather3A_85] in [0] : vector<16xi32>, vector<16xi32> -> vector<16xi32>
    %le3A_87 = arith.cmpi sle, %gather3A_86, %convert_element_type3A_46 : vector<16xi32>
    %convert_element_type3A_88 = arith.extui %le3A_87 : vector<16xi1> to vector<16xi32>
    %mul3A_89 = arith.constant 2 : i32
    %mul3A_90 = vector.broadcast %mul3A_89 : i32 to vector<16xi32>
    %mul3A_91 = arith.muli %mul3A_90, %convert_element_type3A_88 : vector<16xi32>
    %add3A_92 = arith.addi %add3A_80, %mul3A_91 : vector<16xi32>
    %add3A_93 = arith.constant 0 : i32
    %add3A_94 = vector.broadcast %add3A_93 : i32 to vector<16xi32>
    %add3A_95 = arith.addi %add3A_92, %add3A_94 : vector<16xi32>
    %broadcast_in_dim3A_96 = vector.shape_cast %add3A_95 : vector<16xi32> to vector<16x1xi32>
    %gather3A_97 = vector.shape_cast %broadcast_in_dim3A_96 : vector<16x1xi32> to vector<16xi32>
    %gather3A_98 = tpu.dynamic_gather %masked_cumsum3A[%gather3A_97] in [0] : vector<16xi32>, vector<16xi32> -> vector<16xi32>
    %le3A_99 = arith.cmpi sle, %gather3A_98, %convert_element_type3A_46 : vector<16xi32>
    %convert_element_type3A_100 = arith.extui %le3A_99 : vector<16xi1> to vector<16xi32>
    %mul3A_101 = arith.constant 1 : i32
    %mul3A_102 = vector.broadcast %mul3A_101 : i32 to vector<16xi32>
    %mul3A_103 = arith.muli %mul3A_102, %convert_element_type3A_100 : vector<16xi32>
    %add3A_104 = arith.addi %add3A_92, %mul3A_103 : vector<16xi32>
    %broadcast_in_dim3A_105 = arith.constant 0 : i32
    %broadcast_in_dim3A_106 = vector.broadcast %broadcast_in_dim3A_105 : i32 to vector<16xi32>
    %add3A_107 = arith.constant 7 : i32
    %add3A_108 = vector.broadcast %add3A_107 : i32 to vector<16xi32>
    %add3A_109 = arith.addi %broadcast_in_dim3A_106, %add3A_108 : vector<16xi32>
    %broadcast_in_dim3A_110 = vector.shape_cast %add3A_109 : vector<16xi32> to vector<16x1xi32>
    %gather3A_111 = vector.shape_cast %broadcast_in_dim3A_110 : vector<16x1xi32> to vector<16xi32>
    %gather3A_112 = tpu.dynamic_gather %masked_cumsum3A[%gather3A_111] in [0] : vector<16xi32>, vector<16xi32> -> vector<16xi32>
    %le3A_113 = arith.cmpi sle, %gather3A_112, %min3A_53 : vector<16xi32>
    %convert_element_type3A_114 = arith.extui %le3A_113 : vector<16xi1> to vector<16xi32>
    %mul3A_115 = arith.constant 8 : i32
    %mul3A_116 = vector.broadcast %mul3A_115 : i32 to vector<16xi32>
    %mul3A_117 = arith.muli %mul3A_116, %convert_element_type3A_114 : vector<16xi32>
    %add3A_118 = arith.addi %broadcast_in_dim3A_106, %mul3A_117 : vector<16xi32>
    %add3A_119 = arith.constant 3 : i32
    %add3A_120 = vector.broadcast %add3A_119 : i32 to vector<16xi32>
    %add3A_121 = arith.addi %add3A_118, %add3A_120 : vector<16xi32>
    %broadcast_in_dim3A_122 = vector.shape_cast %add3A_121 : vector<16xi32> to vector<16x1xi32>
    %gather3A_123 = vector.shape_cast %broadcast_in_dim3A_122 : vector<16x1xi32> to vector<16xi32>
    %gather3A_124 = tpu.dynamic_gather %masked_cumsum3A[%gather3A_123] in [0] : vector<16xi32>, vector<16xi32> -> vector<16xi32>
    %le3A_125 = arith.cmpi sle, %gather3A_124, %min3A_53 : vector<16xi32>
    %convert_element_type3A_126 = arith.extui %le3A_125 : vector<16xi1> to vector<16xi32>
    %mul3A_127 = arith.constant 4 : i32
    %mul3A_128 = vector.broadcast %mul3A_127 : i32 to vector<16xi32>
    %mul3A_129 = arith.muli %mul3A_128, %convert_element_type3A_126 : vector<16xi32>
    %add3A_130 = arith.addi %add3A_118, %mul3A_129 : vector<16xi32>
    %add3A_131 = arith.constant 1 : i32
    %add3A_132 = vector.broadcast %add3A_131 : i32 to vector<16xi32>
    %add3A_133 = arith.addi %add3A_130, %add3A_132 : vector<16xi32>
    %broadcast_in_dim3A_134 = vector.shape_cast %add3A_133 : vector<16xi32> to vector<16x1xi32>
    %gather3A_135 = vector.shape_cast %broadcast_in_dim3A_134 : vector<16x1xi32> to vector<16xi32>
    %gather3A_136 = tpu.dynamic_gather %masked_cumsum3A[%gather3A_135] in [0] : vector<16xi32>, vector<16xi32> -> vector<16xi32>
    %le3A_137 = arith.cmpi sle, %gather3A_136, %min3A_53 : vector<16xi32>
    %convert_element_type3A_138 = arith.extui %le3A_137 : vector<16xi1> to vector<16xi32>
    %mul3A_139 = arith.constant 2 : i32
    %mul3A_140 = vector.broadcast %mul3A_139 : i32 to vector<16xi32>
    %mul3A_141 = arith.muli %mul3A_140, %convert_element_type3A_138 : vector<16xi32>
    %add3A_142 = arith.addi %add3A_130, %mul3A_141 : vector<16xi32>
    %add3A_143 = arith.constant 0 : i32
    %add3A_144 = vector.broadcast %add3A_143 : i32 to vector<16xi32>
    %add3A_145 = arith.addi %add3A_142, %add3A_144 : vector<16xi32>
    %broadcast_in_dim3A_146 = vector.shape_cast %add3A_145 : vector<16xi32> to vector<16x1xi32>
    %gather3A_147 = vector.shape_cast %broadcast_in_dim3A_146 : vector<16x1xi32> to vector<16xi32>
    %gather3A_148 = tpu.dynamic_gather %masked_cumsum3A[%gather3A_147] in [0] : vector<16xi32>, vector<16xi32> -> vector<16xi32>
    %le3A_149 = arith.cmpi sle, %gather3A_148, %min3A_53 : vector<16xi32>
    %convert_element_type3A_150 = arith.extui %le3A_149 : vector<16xi1> to vector<16xi32>
    %mul3A_151 = arith.constant 1 : i32
    %mul3A_152 = vector.broadcast %mul3A_151 : i32 to vector<16xi32>
    %mul3A_153 = arith.muli %mul3A_152, %convert_element_type3A_150 : vector<16xi32>
    %add3A_154 = arith.addi %add3A_142, %mul3A_153 : vector<16xi32>
    %swap3A_155 = arith.constant 0 : index
    %swap3A_156 = tpu.vector_load %arg9[%swap3A_155] {strides = array<i32>} : memref<16xi32, #tpu.memory_space<vmem>>, vector<16xi32>,
    tpu.vector_store %arg9[%swap3A_155], %sub3A {strides = array<i32>} : memref<16xi32, #tpu.memory_space<vmem>>, vector<16xi32>,
    %swap3A_157 = arith.constant 0 : index
    %swap3A_158 = tpu.vector_load %arg10[%swap3A_157] {strides = array<i32>} : memref<16xi32, #tpu.memory_space<vmem>>, vector<16xi32>,
    tpu.vector_store %arg10[%swap3A_157], %gather3A {strides = array<i32>} : memref<16xi32, #tpu.memory_space<vmem>>, vector<16xi32>,
    %gather3A_159 = tpu.vector_load_idx %arg9[%add3A_104] : memref<16xi32, #tpu.memory_space<vmem>>[vector<16xi32>], vector<16xi32>,
    %sub3A_160 = arith.subi %convert_element_type3A_46, %gather3A_159 : vector<16xi32>
    %jit3A_161 = arith.constant 0 : i32
    %jit3A_162 = arith.constant 255 : i32
    %max3A_163 = vector.broadcast %jit3A_161 : i32 to vector<16xi32>
    %max3A_164 = arith.maxsi %max3A_163, %sub3A_160 : vector<16xi32>
    %min3A_165 = vector.broadcast %jit3A_162 : i32 to vector<16xi32>
    %min3A_166 = arith.minsi %min3A_165, %max3A_164 : vector<16xi32>
    %gather3A_167 = tpu.vector_load_idx %arg9[%add3A_154] : memref<16xi32, #tpu.memory_space<vmem>>[vector<16xi32>], vector<16xi32>,
    %sub3A_168 = arith.subi %min3A_53, %gather3A_167 : vector<16xi32>
    %jit3A_169 = arith.constant 0 : i32
    %jit3A_170 = arith.constant 255 : i32
    %max3A_171 = vector.broadcast %jit3A_169 : i32 to vector<16xi32>
    %max3A_172 = arith.maxsi %max3A_171, %sub3A_168 : vector<16xi32>
    %min3A_173 = vector.broadcast %jit3A_170 : i32 to vector<16xi32>
    %min3A_174 = arith.minsi %min3A_173, %max3A_172 : vector<16xi32>
    %gather3A_175 = tpu.vector_load_idx %arg10[%add3A_104] : memref<16xi32, #tpu.memory_space<vmem>>[vector<16xi32>], vector<16xi32>,
    %eq3A = arith.constant 256 : i32
    %eq3A_176 = vector.broadcast %eq3A : i32 to vector<16xi32>
    %eq3A_177 = arith.cmpi eq, %gather3A_175, %eq3A_176 : vector<16xi32>
    %gather3A_178 = tpu.vector_load_idx %arg10[%add3A_154] : memref<16xi32, #tpu.memory_space<vmem>>[vector<16xi32>], vector<16xi32>,
    %eq3A_179 = arith.constant 256 : i32
    %eq3A_180 = vector.broadcast %eq3A_179 : i32 to vector<16xi32>
    %eq3A_181 = arith.cmpi eq, %gather3A_178, %eq3A_180 : vector<16xi32>
    %mul3A_182 = arith.constant 256 : i32
    %mul3A_183 = vector.broadcast %mul3A_182 : i32 to vector<16xi32>
    %mul3A_184 = arith.muli %add3A_104, %mul3A_183 : vector<16xi32>
    %add3A_185 = arith.addi %mul3A_184, %min3A_166 : vector<16xi32>
    %gather3A_186 = tpu.vector_load_idx %arg8[%add3A_104, %min3A_166] : memref<16x256xi32, #tpu.memory_space<vmem>>[vector<16xi32>, vector<16xi32>], vector<16xi32>,
    %select_n3A = arith.select %eq3A_177, %add3A_185, %gather3A_186 : vector<16xi1>, vector<16xi32>
    %mul3A_187 = arith.constant 256 : i32
    %mul3A_188 = vector.broadcast %mul3A_187 : i32 to vector<16xi32>
    %mul3A_189 = arith.muli %add3A_154, %mul3A_188 : vector<16xi32>
    %add3A_190 = arith.addi %mul3A_189, %min3A_174 : vector<16xi32>
    %gather3A_191 = tpu.vector_load_idx %arg8[%add3A_154, %min3A_174] : memref<16x256xi32, #tpu.memory_space<vmem>>[vector<16xi32>, vector<16xi32>], vector<16xi32>,
    %select_n3A_192 = arith.select %eq3A_181, %add3A_190, %gather3A_191 : vector<16xi1>, vector<16xi32>
    %jit3A_193 = arith.constant 0 : i32
    %jit3A_194 = arith.constant 4095 : i32
    %max3A_195 = vector.broadcast %jit3A_193 : i32 to vector<16xi32>
    %max3A_196 = arith.maxsi %max3A_195, %select_n3A : vector<16xi32>
    %min3A_197 = vector.broadcast %jit3A_194 : i32 to vector<16xi32>
    %min3A_198 = arith.minsi %min3A_197, %max3A_196 : vector<16xi32>
    %jit3A_199 = arith.constant 0 : i32
    %jit3A_200 = arith.constant 4095 : i32
    %max3A_201 = vector.broadcast %jit3A_199 : i32 to vector<16xi32>
    %max3A_202 = arith.maxsi %max3A_201, %select_n3A_192 : vector<16xi32>
    %min3A_203 = vector.broadcast %jit3A_200 : i32 to vector<16xi32>
    %min3A_204 = arith.minsi %min3A_203, %max3A_202 : vector<16xi32>
    %shift_right_arithmetic3A = arith.constant 2 : i32
    %shift_right_arithmetic3A_205 = vector.broadcast %shift_right_arithmetic3A : i32 to vector<16xi32>
    %shift_right_arithmetic3A_206 = arith.shrsi %min3A_198, %shift_right_arithmetic3A_205 : vector<16xi32>
    %lt3A_207 = arith.constant 8 : i32
    %lt3A_208 = vector.broadcast %lt3A_207 : i32 to vector<16xi32>
    %lt3A_209 = arith.cmpi slt, %iota3A, %lt3A_208 : vector<16xi32>
    tpu.vector_store_idx %arg11[%iota3A], %shift_right_arithmetic3A_206 masked %lt3A_209 : memref<8xi32, #tpu.memory_space<vmem>>[vector<16xi32>], vector<16xi32>, vector<16xi1>
    %shift_right_arithmetic3A_210 = arith.constant 2 : i32
    %shift_right_arithmetic3A_211 = vector.broadcast %shift_right_arithmetic3A_210 : i32 to vector<16xi32>
    %shift_right_arithmetic3A_212 = arith.shrsi %min3A_204, %shift_right_arithmetic3A_211 : vector<16xi32>
    %lt3A_213 = arith.constant 8 : i32
    %lt3A_214 = vector.broadcast %lt3A_213 : i32 to vector<16xi32>
    %lt3A_215 = arith.cmpi slt, %iota3A, %lt3A_214 : vector<16xi32>
    tpu.vector_store_idx %arg12[%iota3A], %shift_right_arithmetic3A_212 masked %lt3A_215 : memref<8xi32, #tpu.memory_space<vmem>>[vector<16xi32>], vector<16xi32>, vector<16xi1>
    %and3A = arith.constant 3 : i32
    %and3A_216 = vector.broadcast %and3A : i32 to vector<16xi32>
    %and3A_217 = arith.andi %min3A_198, %and3A_216 : vector<16xi32>
    %mul3A_218 = arith.constant 164 : i32
    %mul3A_219 = vector.broadcast %mul3A_218 : i32 to vector<16xi32>
    %mul3A_220 = arith.muli %and3A_217, %mul3A_219 : vector<16xi32>
    %and3A_221 = arith.constant 3 : i32
    %and3A_222 = vector.broadcast %and3A_221 : i32 to vector<16xi32>
    %and3A_223 = arith.andi %min3A_204, %and3A_222 : vector<16xi32>
    %mul3A_224 = arith.constant 164 : i32
    %mul3A_225 = vector.broadcast %mul3A_224 : i32 to vector<16xi32>
    %mul3A_226 = arith.muli %and3A_223, %mul3A_225 : vector<16xi32>
    %dma_start3A = arith.constant 0 : i32
    %dma_start3A_227 = arith.constant 0 : i32
    %dma_start3A_228 = tpu.memref_slice %arg2[%dma_start3A, %dma_start3A_227] : memref<1024x656xf32, #tpu.memory_space<hbm>> -> memref<1024x656xf32, #tpu.memory_space<hbm>>
    tpu.enqueue_indirect_dma source(%dma_start3A_228 : memref<1024x656xf32, #tpu.memory_space<hbm>>) target(%arg13 : memref<8x656xf32, #tpu.memory_space<vmem>>) offsets(%arg11 : memref<8xi32, #tpu.memory_space<vmem>>) semaphore(%arg18 : memref<!tpu.dma_semaphore, #tpu.memory_space<semaphore_mem>>)
    %dma_start3A_229 = arith.constant 0 : i32
    %dma_start3A_230 = arith.constant 0 : i32
    %dma_start3A_231 = tpu.memref_slice %arg2[%dma_start3A_229, %dma_start3A_230] : memref<1024x656xf32, #tpu.memory_space<hbm>> -> memref<1024x656xf32, #tpu.memory_space<hbm>>
    tpu.enqueue_indirect_dma source(%dma_start3A_231 : memref<1024x656xf32, #tpu.memory_space<hbm>>) target(%arg14 : memref<8x656xf32, #tpu.memory_space<vmem>>) offsets(%arg12 : memref<8xi32, #tpu.memory_space<vmem>>) semaphore(%arg19 : memref<!tpu.dma_semaphore, #tpu.memory_space<semaphore_mem>>)
    %dma_wait3A = arith.constant 0 : i32
    %dma_wait3A_232 = arith.constant 0 : i32
    %dma_wait3A_233 = tpu.memref_slice %arg2[%dma_wait3A, %dma_wait3A_232] : memref<1024x656xf32, #tpu.memory_space<hbm>> -> memref<1024x656xf32, #tpu.memory_space<hbm>>
    tpu.wait_indirect_dma semaphore(%arg18 : memref<!tpu.dma_semaphore, #tpu.memory_space<semaphore_mem>>) src(%dma_wait3A_233 : memref<1024x656xf32, #tpu.memory_space<hbm>>) dst(%arg13 : memref<8x656xf32, #tpu.memory_space<vmem>>)
    %dma_wait3A_234 = arith.constant 0 : i32
    %dma_wait3A_235 = arith.constant 0 : i32
    %dma_wait3A_236 = tpu.memref_slice %arg2[%dma_wait3A_234, %dma_wait3A_235] : memref<1024x656xf32, #tpu.memory_space<hbm>> -> memref<1024x656xf32, #tpu.memory_space<hbm>>
    tpu.wait_indirect_dma semaphore(%arg19 : memref<!tpu.dma_semaphore, #tpu.memory_space<semaphore_mem>>) src(%dma_wait3A_236 : memref<1024x656xf32, #tpu.memory_space<hbm>>) dst(%arg14 : memref<8x656xf32, #tpu.memory_space<vmem>>)
    %lt3A_237 = vector.broadcast %reduce_sum3A_16 : i32 to vector<16xi32>
    %lt3A_238 = arith.cmpi slt, %convert_element_type3A_46, %lt3A_237 : vector<16xi32>
    %sub3A_239 = arith.constant 1.000000e+00 : f32
    %sub3A_240 = vector.broadcast %sub3A_239 : f32 to vector<16xf32>
    %sub3A_241 = arith.subf %sub3A_240, %sub3A_55 : vector<16xf32>
    %jit3A_242 = arith.constant 0.000000e+00 : f32
    %broadcast_in_dim3A_243 = vector.broadcast %jit3A_242 : f32 to vector<16xf32>
    %select_n3A_244 = arith.select %lt3A_238, %sub3A_241, %broadcast_in_dim3A_243 : vector<16xi1>, vector<16xf32>
    %lt3A_245 = vector.broadcast %reduce_sum3A_16 : i32 to vector<16xi32>
    %lt3A_246 = arith.cmpi slt, %min3A_53, %lt3A_245 : vector<16xi32>
    %jit3A_247 = arith.constant 0.000000e+00 : f32
    %broadcast_in_dim3A_248 = vector.broadcast %jit3A_247 : f32 to vector<16xf32>
    %select_n3A_249 = arith.select %lt3A_246, %sub3A_55, %broadcast_in_dim3A_248 : vector<16xi1>, vector<16xf32>
    %slice3A = vector.extract_strided_slice %mul3A_220 {offsets = [0], sizes = [1], strides = [1]} : vector<16xi32> to vector<1xi32>
    %squeeze3A = vector.extract %slice3A[0] : i32 from vector<1xi32>
    %slice3A_250 = vector.extract_strided_slice %mul3A_220 {offsets = [1], sizes = [1], strides = [1]} : vector<16xi32> to vector<1xi32>
    %squeeze3A_251 = vector.extract %slice3A_250[0] : i32 from vector<1xi32>
    %slice3A_252 = vector.extract_strided_slice %mul3A_220 {offsets = [2], sizes = [1], strides = [1]} : vector<16xi32> to vector<1xi32>
    %squeeze3A_253 = vector.extract %slice3A_252[0] : i32 from vector<1xi32>
    %slice3A_254 = vector.extract_strided_slice %mul3A_220 {offsets = [3], sizes = [1], strides = [1]} : vector<16xi32> to vector<1xi32>
    %squeeze3A_255 = vector.extract %slice3A_254[0] : i32 from vector<1xi32>
    %slice3A_256 = vector.extract_strided_slice %mul3A_220 {offsets = [4], sizes = [1], strides = [1]} : vector<16xi32> to vector<1xi32>
    %squeeze3A_257 = vector.extract %slice3A_256[0] : i32 from vector<1xi32>
    %slice3A_258 = vector.extract_strided_slice %mul3A_220 {offsets = [5], sizes = [1], strides = [1]} : vector<16xi32> to vector<1xi32>
    %squeeze3A_259 = vector.extract %slice3A_258[0] : i32 from vector<1xi32>
    %slice3A_260 = vector.extract_strided_slice %mul3A_220 {offsets = [6], sizes = [1], strides = [1]} : vector<16xi32> to vector<1xi32>
    %squeeze3A_261 = vector.extract %slice3A_260[0] : i32 from vector<1xi32>
    %slice3A_262 = vector.extract_strided_slice %mul3A_220 {offsets = [7], sizes = [1], strides = [1]} : vector<16xi32> to vector<1xi32>
    %squeeze3A_263 = vector.extract %slice3A_262[0] : i32 from vector<1xi32>
    %slice3A_264 = vector.extract_strided_slice %mul3A_226 {offsets = [0], sizes = [1], strides = [1]} : vector<16xi32> to vector<1xi32>
    %squeeze3A_265 = vector.extract %slice3A_264[0] : i32 from vector<1xi32>
    %slice3A_266 = vector.extract_strided_slice %mul3A_226 {offsets = [1], sizes = [1], strides = [1]} : vector<16xi32> to vector<1xi32>
    %squeeze3A_267 = vector.extract %slice3A_266[0] : i32 from vector<1xi32>
    %slice3A_268 = vector.extract_strided_slice %mul3A_226 {offsets = [2], sizes = [1], strides = [1]} : vector<16xi32> to vector<1xi32>
    %squeeze3A_269 = vector.extract %slice3A_268[0] : i32 from vector<1xi32>
    %slice3A_270 = vector.extract_strided_slice %mul3A_226 {offsets = [3], sizes = [1], strides = [1]} : vector<16xi32> to vector<1xi32>
    %squeeze3A_271 = vector.extract %slice3A_270[0] : i32 from vector<1xi32>
    %slice3A_272 = vector.extract_strided_slice %mul3A_226 {offsets = [4], sizes = [1], strides = [1]} : vector<16xi32> to vector<1xi32>
    %squeeze3A_273 = vector.extract %slice3A_272[0] : i32 from vector<1xi32>
    %slice3A_274 = vector.extract_strided_slice %mul3A_226 {offsets = [5], sizes = [1], strides = [1]} : vector<16xi32> to vector<1xi32>
    %squeeze3A_275 = vector.extract %slice3A_274[0] : i32 from vector<1xi32>
    %slice3A_276 = vector.extract_strided_slice %mul3A_226 {offsets = [6], sizes = [1], strides = [1]} : vector<16xi32> to vector<1xi32>
    %squeeze3A_277 = vector.extract %slice3A_276[0] : i32 from vector<1xi32>
    %slice3A_278 = vector.extract_strided_slice %mul3A_226 {offsets = [7], sizes = [1], strides = [1]} : vector<16xi32> to vector<1xi32>
    %squeeze3A_279 = vector.extract %slice3A_278[0] : i32 from vector<1xi32>
    %slice3A_280 = vector.extract_strided_slice %select_n3A_244 {offsets = [0], sizes = [1], strides = [1]} : vector<16xf32> to vector<1xf32>
    %squeeze3A_281 = vector.extract %slice3A_280[0] : f32 from vector<1xf32>
    %slice3A_282 = vector.extract_strided_slice %select_n3A_244 {offsets = [1], sizes = [1], strides = [1]} : vector<16xf32> to vector<1xf32>
    %squeeze3A_283 = vector.extract %slice3A_282[0] : f32 from vector<1xf32>
    %slice3A_284 = vector.extract_strided_slice %select_n3A_244 {offsets = [2], sizes = [1], strides = [1]} : vector<16xf32> to vector<1xf32>
    %squeeze3A_285 = vector.extract %slice3A_284[0] : f32 from vector<1xf32>
    %slice3A_286 = vector.extract_strided_slice %select_n3A_244 {offsets = [3], sizes = [1], strides = [1]} : vector<16xf32> to vector<1xf32>
    %squeeze3A_287 = vector.extract %slice3A_286[0] : f32 from vector<1xf32>
    %slice3A_288 = vector.extract_strided_slice %select_n3A_244 {offsets = [4], sizes = [1], strides = [1]} : vector<16xf32> to vector<1xf32>
    %squeeze3A_289 = vector.extract %slice3A_288[0] : f32 from vector<1xf32>
    %slice3A_290 = vector.extract_strided_slice %select_n3A_244 {offsets = [5], sizes = [1], strides = [1]} : vector<16xf32> to vector<1xf32>
    %squeeze3A_291 = vector.extract %slice3A_290[0] : f32 from vector<1xf32>
    %slice3A_292 = vector.extract_strided_slice %select_n3A_244 {offsets = [6], sizes = [1], strides = [1]} : vector<16xf32> to vector<1xf32>
    %squeeze3A_293 = vector.extract %slice3A_292[0] : f32 from vector<1xf32>
    %slice3A_294 = vector.extract_strided_slice %select_n3A_244 {offsets = [7], sizes = [1], strides = [1]} : vector<16xf32> to vector<1xf32>
    %squeeze3A_295 = vector.extract %slice3A_294[0] : f32 from vector<1xf32>
    %slice3A_296 = vector.extract_strided_slice %select_n3A_249 {offsets = [0], sizes = [1], strides = [1]} : vector<16xf32> to vector<1xf32>
    %squeeze3A_297 = vector.extract %slice3A_296[0] : f32 from vector<1xf32>
    %slice3A_298 = vector.extract_strided_slice %select_n3A_249 {offsets = [1], sizes = [1], strides = [1]} : vector<16xf32> to vector<1xf32>
    %squeeze3A_299 = vector.extract %slice3A_298[0] : f32 from vector<1xf32>
    %slice3A_300 = vector.extract_strided_slice %select_n3A_249 {offsets = [2], sizes = [1], strides = [1]} : vector<16xf32> to vector<1xf32>
    %squeeze3A_301 = vector.extract %slice3A_300[0] : f32 from vector<1xf32>
    %slice3A_302 = vector.extract_strided_slice %select_n3A_249 {offsets = [3], sizes = [1], strides = [1]} : vector<16xf32> to vector<1xf32>
    %squeeze3A_303 = vector.extract %slice3A_302[0] : f32 from vector<1xf32>
    %slice3A_304 = vector.extract_strided_slice %select_n3A_249 {offsets = [4], sizes = [1], strides = [1]} : vector<16xf32> to vector<1xf32>
    %squeeze3A_305 = vector.extract %slice3A_304[0] : f32 from vector<1xf32>
    %slice3A_306 = vector.extract_strided_slice %select_n3A_249 {offsets = [5], sizes = [1], strides = [1]} : vector<16xf32> to vector<1xf32>
    %squeeze3A_307 = vector.extract %slice3A_306[0] : f32 from vector<1xf32>
    %slice3A_308 = vector.extract_strided_slice %select_n3A_249 {offsets = [6], sizes = [1], strides = [1]} : vector<16xf32> to vector<1xf32>
    %squeeze3A_309 = vector.extract %slice3A_308[0] : f32 from vector<1xf32>
    %slice3A_310 = vector.extract_strided_slice %select_n3A_249 {offsets = [7], sizes = [1], strides = [1]} : vector<16xf32> to vector<1xf32>
    %squeeze3A_311 = vector.extract %slice3A_310[0] : f32 from vector<1xf32>
    %scan3A_312 = arith.constant 0 : i32
    %scan3A_313 = arith.constant 0 : i32
    %scan3A_314 = arith.constant 10 : i32
    %scan3A_315 = arith.addi %scan3A_313, %scan3A_314 : i32
    %scan3A_316 = arith.constant 1 : i32
    scf.for %scan3A_645 = %scan3A_313 to %scan3A_315 step %scan3A_316  : i32 {
      %mul3A_646 = arith.constant 16 : i32
      %mul3A_647 = arith.muli %scan3A_645, %mul3A_646 : i32
      %add3A_648 = arith.addi %squeeze3A, %mul3A_647 : i32
      %get3A_649 = arith.constant 0 : i32
      %get3A_650 = arith.index_cast %get3A_649 : i32 to index
      %get3A_651 = arith.index_cast %add3A_648 : i32 to index
      %get3A_652 = tpu.vector_load %arg13[%get3A_650, %get3A_651] {strides = array<i32>} : memref<8x656xf32, #tpu.memory_space<vmem>>, vector<16xf32>,
      %add3A_653 = arith.addi %squeeze3A_265, %mul3A_647 : i32
      %get3A_654 = arith.constant 0 : i32
      %get3A_655 = arith.index_cast %get3A_654 : i32 to index
      %get3A_656 = arith.index_cast %add3A_653 : i32 to index
      %get3A_657 = tpu.vector_load %arg14[%get3A_655, %get3A_656] {strides = array<i32>} : memref<8x656xf32, #tpu.memory_space<vmem>>, vector<16xf32>,
      %bitcast3A_658 = vector.bitcast %get3A_652 : vector<16xf32> to vector<16xi32>
      %and3A_659 = arith.constant 2147483647 : i32
      %and3A_660 = vector.broadcast %and3A_659 : i32 to vector<16xi32>
      %and3A_661 = arith.andi %bitcast3A_658, %and3A_660 : vector<16xi32>
      %bitcast3A_662 = vector.bitcast %get3A_657 : vector<16xf32> to vector<16xi32>
      %and3A_663 = arith.constant 2147483647 : i32
      %and3A_664 = vector.broadcast %and3A_663 : i32 to vector<16xi32>
      %and3A_665 = arith.andi %bitcast3A_662, %and3A_664 : vector<16xi32>
      %gt3A_666 = arith.constant 2139095040 : i32
      %gt3A_667 = vector.broadcast %gt3A_666 : i32 to vector<16xi32>
      %gt3A_668 = arith.cmpi sgt, %and3A_661, %gt3A_667 : vector<16xi32>
      %jit3A_669 = arith.constant 0.000000e+00 : f32
      %broadcast_in_dim3A_670 = vector.broadcast %jit3A_669 : f32 to vector<16xf32>
      %select_n3A_671 = arith.select %gt3A_668, %broadcast_in_dim3A_670, %get3A_652 : vector<16xi1>, vector<16xf32>
      %gt3A_672 = arith.constant 2139095040 : i32
      %gt3A_673 = vector.broadcast %gt3A_672 : i32 to vector<16xi32>
      %gt3A_674 = arith.cmpi sgt, %and3A_665, %gt3A_673 : vector<16xi32>
      %jit3A_675 = arith.constant 0.000000e+00 : f32
      %broadcast_in_dim3A_676 = vector.broadcast %jit3A_675 : f32 to vector<16xf32>
      %select_n3A_677 = arith.select %gt3A_674, %broadcast_in_dim3A_676, %get3A_657 : vector<16xi1>, vector<16xf32>
      %mul3A_678 = vector.broadcast %squeeze3A_281 : f32 to vector<16xf32>
      %mul3A_679 = arith.mulf %mul3A_678, %select_n3A_671 : vector<16xf32>
      %mul3A_680 = vector.broadcast %squeeze3A_297 : f32 to vector<16xf32>
      %mul3A_681 = arith.mulf %mul3A_680, %select_n3A_677 : vector<16xf32>
      %add3A_682 = arith.addf %mul3A_679, %mul3A_681 : vector<16xf32>
      %swap3A_683 = arith.constant 0 : i32
      %swap3A_684 = arith.index_cast %swap3A_683 : i32 to index
      %swap3A_685 = arith.index_cast %mul3A_647 : i32 to index
      %swap3A_686 = tpu.vector_load %arg15[%swap3A_684, %swap3A_685] {strides = array<i32>} : memref<8x164xf32, #tpu.memory_space<vmem>>, vector<16xf32>,
      tpu.vector_store %arg15[%swap3A_684, %swap3A_685], %add3A_682 {strides = array<i32>} : memref<8x164xf32, #tpu.memory_space<vmem>>, vector<16xf32>,
      %add3A_687 = arith.addi %squeeze3A_251, %mul3A_647 : i32
      %get3A_688 = arith.constant 1 : i32
      %get3A_689 = arith.index_cast %get3A_688 : i32 to index
      %get3A_690 = arith.index_cast %add3A_687 : i32 to index
      %get3A_691 = tpu.vector_load %arg13[%get3A_689, %get3A_690] {strides = array<i32>} : memref<8x656xf32, #tpu.memory_space<vmem>>, vector<16xf32>,
      %add3A_692 = arith.addi %squeeze3A_267, %mul3A_647 : i32
      %get3A_693 = arith.constant 1 : i32
      %get3A_694 = arith.index_cast %get3A_693 : i32 to index
      %get3A_695 = arith.index_cast %add3A_692 : i32 to index
      %get3A_696 = tpu.vector_load %arg14[%get3A_694, %get3A_695] {strides = array<i32>} : memref<8x656xf32, #tpu.memory_space<vmem>>, vector<16xf32>,
      %bitcast3A_697 = vector.bitcast %get3A_691 : vector<16xf32> to vector<16xi32>
      %and3A_698 = arith.constant 2147483647 : i32
      %and3A_699 = vector.broadcast %and3A_698 : i32 to vector<16xi32>
      %and3A_700 = arith.andi %bitcast3A_697, %and3A_699 : vector<16xi32>
      %bitcast3A_701 = vector.bitcast %get3A_696 : vector<16xf32> to vector<16xi32>
      %and3A_702 = arith.constant 2147483647 : i32
      %and3A_703 = vector.broadcast %and3A_702 : i32 to vector<16xi32>
      %and3A_704 = arith.andi %bitcast3A_701, %and3A_703 : vector<16xi32>
      %gt3A_705 = arith.constant 2139095040 : i32
      %gt3A_706 = vector.broadcast %gt3A_705 : i32 to vector<16xi32>
      %gt3A_707 = arith.cmpi sgt, %and3A_700, %gt3A_706 : vector<16xi32>
      %jit3A_708 = arith.constant 0.000000e+00 : f32
      %broadcast_in_dim3A_709 = vector.broadcast %jit3A_708 : f32 to vector<16xf32>
      %select_n3A_710 = arith.select %gt3A_707, %broadcast_in_dim3A_709, %get3A_691 : vector<16xi1>, vector<16xf32>
      %gt3A_711 = arith.constant 2139095040 : i32
      %gt3A_712 = vector.broadcast %gt3A_711 : i32 to vector<16xi32>
      %gt3A_713 = arith.cmpi sgt, %and3A_704, %gt3A_712 : vector<16xi32>
      %jit3A_714 = arith.constant 0.000000e+00 : f32
      %broadcast_in_dim3A_715 = vector.broadcast %jit3A_714 : f32 to vector<16xf32>
      %select_n3A_716 = arith.select %gt3A_713, %broadcast_in_dim3A_715, %get3A_696 : vector<16xi1>, vector<16xf32>
      %mul3A_717 = vector.broadcast %squeeze3A_283 : f32 to vector<16xf32>
      %mul3A_718 = arith.mulf %mul3A_717, %select_n3A_710 : vector<16xf32>
      %mul3A_719 = vector.broadcast %squeeze3A_299 : f32 to vector<16xf32>
      %mul3A_720 = arith.mulf %mul3A_719, %select_n3A_716 : vector<16xf32>
      %add3A_721 = arith.addf %mul3A_718, %mul3A_720 : vector<16xf32>
      %swap3A_722 = arith.constant 1 : i32
      %swap3A_723 = arith.index_cast %swap3A_722 : i32 to index
      %swap3A_724 = arith.index_cast %mul3A_647 : i32 to index
      %swap3A_725 = tpu.vector_load %arg15[%swap3A_723, %swap3A_724] {strides = array<i32>} : memref<8x164xf32, #tpu.memory_space<vmem>>, vector<16xf32>,
      tpu.vector_store %arg15[%swap3A_723, %swap3A_724], %add3A_721 {strides = array<i32>} : memref<8x164xf32, #tpu.memory_space<vmem>>, vector<16xf32>,
      %add3A_726 = arith.addi %squeeze3A_253, %mul3A_647 : i32
      %get3A_727 = arith.constant 2 : i32
      %get3A_728 = arith.index_cast %get3A_727 : i32 to index
      %get3A_729 = arith.index_cast %add3A_726 : i32 to index
      %get3A_730 = tpu.vector_load %arg13[%get3A_728, %get3A_729] {strides = array<i32>} : memref<8x656xf32, #tpu.memory_space<vmem>>, vector<16xf32>,
      %add3A_731 = arith.addi %squeeze3A_269, %mul3A_647 : i32
      %get3A_732 = arith.constant 2 : i32
      %get3A_733 = arith.index_cast %get3A_732 : i32 to index
      %get3A_734 = arith.index_cast %add3A_731 : i32 to index
      %get3A_735 = tpu.vector_load %arg14[%get3A_733, %get3A_734] {strides = array<i32>} : memref<8x656xf32, #tpu.memory_space<vmem>>, vector<16xf32>,
      %bitcast3A_736 = vector.bitcast %get3A_730 : vector<16xf32> to vector<16xi32>
      %and3A_737 = arith.constant 2147483647 : i32
      %and3A_738 = vector.broadcast %and3A_737 : i32 to vector<16xi32>
      %and3A_739 = arith.andi %bitcast3A_736, %and3A_738 : vector<16xi32>
      %bitcast3A_740 = vector.bitcast %get3A_735 : vector<16xf32> to vector<16xi32>
      %and3A_741 = arith.constant 2147483647 : i32
      %and3A_742 = vector.broadcast %and3A_741 : i32 to vector<16xi32>
      %and3A_743 = arith.andi %bitcast3A_740, %and3A_742 : vector<16xi32>
      %gt3A_744 = arith.constant 2139095040 : i32
      %gt3A_745 = vector.broadcast %gt3A_744 : i32 to vector<16xi32>
      %gt3A_746 = arith.cmpi sgt, %and3A_739, %gt3A_745 : vector<16xi32>
      %jit3A_747 = arith.constant 0.000000e+00 : f32
      %broadcast_in_dim3A_748 = vector.broadcast %jit3A_747 : f32 to vector<16xf32>
      %select_n3A_749 = arith.select %gt3A_746, %broadcast_in_dim3A_748, %get3A_730 : vector<16xi1>, vector<16xf32>
      %gt3A_750 = arith.constant 2139095040 : i32
      %gt3A_751 = vector.broadcast %gt3A_750 : i32 to vector<16xi32>
      %gt3A_752 = arith.cmpi sgt, %and3A_743, %gt3A_751 : vector<16xi32>
      %jit3A_753 = arith.constant 0.000000e+00 : f32
      %broadcast_in_dim3A_754 = vector.broadcast %jit3A_753 : f32 to vector<16xf32>
      %select_n3A_755 = arith.select %gt3A_752, %broadcast_in_dim3A_754, %get3A_735 : vector<16xi1>, vector<16xf32>
      %mul3A_756 = vector.broadcast %squeeze3A_285 : f32 to vector<16xf32>
      %mul3A_757 = arith.mulf %mul3A_756, %select_n3A_749 : vector<16xf32>
      %mul3A_758 = vector.broadcast %squeeze3A_301 : f32 to vector<16xf32>
      %mul3A_759 = arith.mulf %mul3A_758, %select_n3A_755 : vector<16xf32>
      %add3A_760 = arith.addf %mul3A_757, %mul3A_759 : vector<16xf32>
      %swap3A_761 = arith.constant 2 : i32
      %swap3A_762 = arith.index_cast %swap3A_761 : i32 to index
      %swap3A_763 = arith.index_cast %mul3A_647 : i32 to index
      %swap3A_764 = tpu.vector_load %arg15[%swap3A_762, %swap3A_763] {strides = array<i32>} : memref<8x164xf32, #tpu.memory_space<vmem>>, vector<16xf32>,
      tpu.vector_store %arg15[%swap3A_762, %swap3A_763], %add3A_760 {strides = array<i32>} : memref<8x164xf32, #tpu.memory_space<vmem>>, vector<16xf32>,
      %add3A_765 = arith.addi %squeeze3A_255, %mul3A_647 : i32
      %get3A_766 = arith.constant 3 : i32
      %get3A_767 = arith.index_cast %get3A_766 : i32 to index
      %get3A_768 = arith.index_cast %add3A_765 : i32 to index
      %get3A_769 = tpu.vector_load %arg13[%get3A_767, %get3A_768] {strides = array<i32>} : memref<8x656xf32, #tpu.memory_space<vmem>>, vector<16xf32>,
      %add3A_770 = arith.addi %squeeze3A_271, %mul3A_647 : i32
      %get3A_771 = arith.constant 3 : i32
      %get3A_772 = arith.index_cast %get3A_771 : i32 to index
      %get3A_773 = arith.index_cast %add3A_770 : i32 to index
      %get3A_774 = tpu.vector_load %arg14[%get3A_772, %get3A_773] {strides = array<i32>} : memref<8x656xf32, #tpu.memory_space<vmem>>, vector<16xf32>,
      %bitcast3A_775 = vector.bitcast %get3A_769 : vector<16xf32> to vector<16xi32>
      %and3A_776 = arith.constant 2147483647 : i32
      %and3A_777 = vector.broadcast %and3A_776 : i32 to vector<16xi32>
      %and3A_778 = arith.andi %bitcast3A_775, %and3A_777 : vector<16xi32>
      %bitcast3A_779 = vector.bitcast %get3A_774 : vector<16xf32> to vector<16xi32>
      %and3A_780 = arith.constant 2147483647 : i32
      %and3A_781 = vector.broadcast %and3A_780 : i32 to vector<16xi32>
      %and3A_782 = arith.andi %bitcast3A_779, %and3A_781 : vector<16xi32>
      %gt3A_783 = arith.constant 2139095040 : i32
      %gt3A_784 = vector.broadcast %gt3A_783 : i32 to vector<16xi32>
      %gt3A_785 = arith.cmpi sgt, %and3A_778, %gt3A_784 : vector<16xi32>
      %jit3A_786 = arith.constant 0.000000e+00 : f32
      %broadcast_in_dim3A_787 = vector.broadcast %jit3A_786 : f32 to vector<16xf32>
      %select_n3A_788 = arith.select %gt3A_785, %broadcast_in_dim3A_787, %get3A_769 : vector<16xi1>, vector<16xf32>
      %gt3A_789 = arith.constant 2139095040 : i32
      %gt3A_790 = vector.broadcast %gt3A_789 : i32 to vector<16xi32>
      %gt3A_791 = arith.cmpi sgt, %and3A_782, %gt3A_790 : vector<16xi32>
      %jit3A_792 = arith.constant 0.000000e+00 : f32
      %broadcast_in_dim3A_793 = vector.broadcast %jit3A_792 : f32 to vector<16xf32>
      %select_n3A_794 = arith.select %gt3A_791, %broadcast_in_dim3A_793, %get3A_774 : vector<16xi1>, vector<16xf32>
      %mul3A_795 = vector.broadcast %squeeze3A_287 : f32 to vector<16xf32>
      %mul3A_796 = arith.mulf %mul3A_795, %select_n3A_788 : vector<16xf32>
      %mul3A_797 = vector.broadcast %squeeze3A_303 : f32 to vector<16xf32>
      %mul3A_798 = arith.mulf %mul3A_797, %select_n3A_794 : vector<16xf32>
      %add3A_799 = arith.addf %mul3A_796, %mul3A_798 : vector<16xf32>
      %swap3A_800 = arith.constant 3 : i32
      %swap3A_801 = arith.index_cast %swap3A_800 : i32 to index
      %swap3A_802 = arith.index_cast %mul3A_647 : i32 to index
      %swap3A_803 = tpu.vector_load %arg15[%swap3A_801, %swap3A_802] {strides = array<i32>} : memref<8x164xf32, #tpu.memory_space<vmem>>, vector<16xf32>,
      tpu.vector_store %arg15[%swap3A_801, %swap3A_802], %add3A_799 {strides = array<i32>} : memref<8x164xf32, #tpu.memory_space<vmem>>, vector<16xf32>,
      %add3A_804 = arith.addi %squeeze3A_257, %mul3A_647 : i32
      %get3A_805 = arith.constant 4 : i32
      %get3A_806 = arith.index_cast %get3A_805 : i32 to index
      %get3A_807 = arith.index_cast %add3A_804 : i32 to index
      %get3A_808 = tpu.vector_load %arg13[%get3A_806, %get3A_807] {strides = array<i32>} : memref<8x656xf32, #tpu.memory_space<vmem>>, vector<16xf32>,
      %add3A_809 = arith.addi %squeeze3A_273, %mul3A_647 : i32
      %get3A_810 = arith.constant 4 : i32
      %get3A_811 = arith.index_cast %get3A_810 : i32 to index
      %get3A_812 = arith.index_cast %add3A_809 : i32 to index
      %get3A_813 = tpu.vector_load %arg14[%get3A_811, %get3A_812] {strides = array<i32>} : memref<8x656xf32, #tpu.memory_space<vmem>>, vector<16xf32>,
      %bitcast3A_814 = vector.bitcast %get3A_808 : vector<16xf32> to vector<16xi32>
      %and3A_815 = arith.constant 2147483647 : i32
      %and3A_816 = vector.broadcast %and3A_815 : i32 to vector<16xi32>
      %and3A_817 = arith.andi %bitcast3A_814, %and3A_816 : vector<16xi32>
      %bitcast3A_818 = vector.bitcast %get3A_813 : vector<16xf32> to vector<16xi32>
      %and3A_819 = arith.constant 2147483647 : i32
      %and3A_820 = vector.broadcast %and3A_819 : i32 to vector<16xi32>
      %and3A_821 = arith.andi %bitcast3A_818, %and3A_820 : vector<16xi32>
      %gt3A_822 = arith.constant 2139095040 : i32
      %gt3A_823 = vector.broadcast %gt3A_822 : i32 to vector<16xi32>
      %gt3A_824 = arith.cmpi sgt, %and3A_817, %gt3A_823 : vector<16xi32>
      %jit3A_825 = arith.constant 0.000000e+00 : f32
      %broadcast_in_dim3A_826 = vector.broadcast %jit3A_825 : f32 to vector<16xf32>
      %select_n3A_827 = arith.select %gt3A_824, %broadcast_in_dim3A_826, %get3A_808 : vector<16xi1>, vector<16xf32>
      %gt3A_828 = arith.constant 2139095040 : i32
      %gt3A_829 = vector.broadcast %gt3A_828 : i32 to vector<16xi32>
      %gt3A_830 = arith.cmpi sgt, %and3A_821, %gt3A_829 : vector<16xi32>
      %jit3A_831 = arith.constant 0.000000e+00 : f32
      %broadcast_in_dim3A_832 = vector.broadcast %jit3A_831 : f32 to vector<16xf32>
      %select_n3A_833 = arith.select %gt3A_830, %broadcast_in_dim3A_832, %get3A_813 : vector<16xi1>, vector<16xf32>
      %mul3A_834 = vector.broadcast %squeeze3A_289 : f32 to vector<16xf32>
      %mul3A_835 = arith.mulf %mul3A_834, %select_n3A_827 : vector<16xf32>
      %mul3A_836 = vector.broadcast %squeeze3A_305 : f32 to vector<16xf32>
      %mul3A_837 = arith.mulf %mul3A_836, %select_n3A_833 : vector<16xf32>
      %add3A_838 = arith.addf %mul3A_835, %mul3A_837 : vector<16xf32>
      %swap3A_839 = arith.constant 4 : i32
      %swap3A_840 = arith.index_cast %swap3A_839 : i32 to index
      %swap3A_841 = arith.index_cast %mul3A_647 : i32 to index
      %swap3A_842 = tpu.vector_load %arg15[%swap3A_840, %swap3A_841] {strides = array<i32>} : memref<8x164xf32, #tpu.memory_space<vmem>>, vector<16xf32>,
      tpu.vector_store %arg15[%swap3A_840, %swap3A_841], %add3A_838 {strides = array<i32>} : memref<8x164xf32, #tpu.memory_space<vmem>>, vector<16xf32>,
      %add3A_843 = arith.addi %squeeze3A_259, %mul3A_647 : i32
      %get3A_844 = arith.constant 5 : i32
      %get3A_845 = arith.index_cast %get3A_844 : i32 to index
      %get3A_846 = arith.index_cast %add3A_843 : i32 to index
      %get3A_847 = tpu.vector_load %arg13[%get3A_845, %get3A_846] {strides = array<i32>} : memref<8x656xf32, #tpu.memory_space<vmem>>, vector<16xf32>,
      %add3A_848 = arith.addi %squeeze3A_275, %mul3A_647 : i32
      %get3A_849 = arith.constant 5 : i32
      %get3A_850 = arith.index_cast %get3A_849 : i32 to index
      %get3A_851 = arith.index_cast %add3A_848 : i32 to index
      %get3A_852 = tpu.vector_load %arg14[%get3A_850, %get3A_851] {strides = array<i32>} : memref<8x656xf32, #tpu.memory_space<vmem>>, vector<16xf32>,
      %bitcast3A_853 = vector.bitcast %get3A_847 : vector<16xf32> to vector<16xi32>
      %and3A_854 = arith.constant 2147483647 : i32
      %and3A_855 = vector.broadcast %and3A_854 : i32 to vector<16xi32>
      %and3A_856 = arith.andi %bitcast3A_853, %and3A_855 : vector<16xi32>
      %bitcast3A_857 = vector.bitcast %get3A_852 : vector<16xf32> to vector<16xi32>
      %and3A_858 = arith.constant 2147483647 : i32
      %and3A_859 = vector.broadcast %and3A_858 : i32 to vector<16xi32>
      %and3A_860 = arith.andi %bitcast3A_857, %and3A_859 : vector<16xi32>
      %gt3A_861 = arith.constant 2139095040 : i32
      %gt3A_862 = vector.broadcast %gt3A_861 : i32 to vector<16xi32>
      %gt3A_863 = arith.cmpi sgt, %and3A_856, %gt3A_862 : vector<16xi32>
      %jit3A_864 = arith.constant 0.000000e+00 : f32
      %broadcast_in_dim3A_865 = vector.broadcast %jit3A_864 : f32 to vector<16xf32>
      %select_n3A_866 = arith.select %gt3A_863, %broadcast_in_dim3A_865, %get3A_847 : vector<16xi1>, vector<16xf32>
      %gt3A_867 = arith.constant 2139095040 : i32
      %gt3A_868 = vector.broadcast %gt3A_867 : i32 to vector<16xi32>
      %gt3A_869 = arith.cmpi sgt, %and3A_860, %gt3A_868 : vector<16xi32>
      %jit3A_870 = arith.constant 0.000000e+00 : f32
      %broadcast_in_dim3A_871 = vector.broadcast %jit3A_870 : f32 to vector<16xf32>
      %select_n3A_872 = arith.select %gt3A_869, %broadcast_in_dim3A_871, %get3A_852 : vector<16xi1>, vector<16xf32>
      %mul3A_873 = vector.broadcast %squeeze3A_291 : f32 to vector<16xf32>
      %mul3A_874 = arith.mulf %mul3A_873, %select_n3A_866 : vector<16xf32>
      %mul3A_875 = vector.broadcast %squeeze3A_307 : f32 to vector<16xf32>
      %mul3A_876 = arith.mulf %mul3A_875, %select_n3A_872 : vector<16xf32>
      %add3A_877 = arith.addf %mul3A_874, %mul3A_876 : vector<16xf32>
      %swap3A_878 = arith.constant 5 : i32
      %swap3A_879 = arith.index_cast %swap3A_878 : i32 to index
      %swap3A_880 = arith.index_cast %mul3A_647 : i32 to index
      %swap3A_881 = tpu.vector_load %arg15[%swap3A_879, %swap3A_880] {strides = array<i32>} : memref<8x164xf32, #tpu.memory_space<vmem>>, vector<16xf32>,
      tpu.vector_store %arg15[%swap3A_879, %swap3A_880], %add3A_877 {strides = array<i32>} : memref<8x164xf32, #tpu.memory_space<vmem>>, vector<16xf32>,
      %add3A_882 = arith.addi %squeeze3A_261, %mul3A_647 : i32
      %get3A_883 = arith.constant 6 : i32
      %get3A_884 = arith.index_cast %get3A_883 : i32 to index
      %get3A_885 = arith.index_cast %add3A_882 : i32 to index
      %get3A_886 = tpu.vector_load %arg13[%get3A_884, %get3A_885] {strides = array<i32>} : memref<8x656xf32, #tpu.memory_space<vmem>>, vector<16xf32>,
      %add3A_887 = arith.addi %squeeze3A_277, %mul3A_647 : i32
      %get3A_888 = arith.constant 6 : i32
      %get3A_889 = arith.index_cast %get3A_888 : i32 to index
      %get3A_890 = arith.index_cast %add3A_887 : i32 to index
      %get3A_891 = tpu.vector_load %arg14[%get3A_889, %get3A_890] {strides = array<i32>} : memref<8x656xf32, #tpu.memory_space<vmem>>, vector<16xf32>,
      %bitcast3A_892 = vector.bitcast %get3A_886 : vector<16xf32> to vector<16xi32>
      %and3A_893 = arith.constant 2147483647 : i32
      %and3A_894 = vector.broadcast %and3A_893 : i32 to vector<16xi32>
      %and3A_895 = arith.andi %bitcast3A_892, %and3A_894 : vector<16xi32>
      %bitcast3A_896 = vector.bitcast %get3A_891 : vector<16xf32> to vector<16xi32>
      %and3A_897 = arith.constant 2147483647 : i32
      %and3A_898 = vector.broadcast %and3A_897 : i32 to vector<16xi32>
      %and3A_899 = arith.andi %bitcast3A_896, %and3A_898 : vector<16xi32>
      %gt3A_900 = arith.constant 2139095040 : i32
      %gt3A_901 = vector.broadcast %gt3A_900 : i32 to vector<16xi32>
      %gt3A_902 = arith.cmpi sgt, %and3A_895, %gt3A_901 : vector<16xi32>
      %jit3A_903 = arith.constant 0.000000e+00 : f32
      %broadcast_in_dim3A_904 = vector.broadcast %jit3A_903 : f32 to vector<16xf32>
      %select_n3A_905 = arith.select %gt3A_902, %broadcast_in_dim3A_904, %get3A_886 : vector<16xi1>, vector<16xf32>
      %gt3A_906 = arith.constant 2139095040 : i32
      %gt3A_907 = vector.broadcast %gt3A_906 : i32 to vector<16xi32>
      %gt3A_908 = arith.cmpi sgt, %and3A_899, %gt3A_907 : vector<16xi32>
      %jit3A_909 = arith.constant 0.000000e+00 : f32
      %broadcast_in_dim3A_910 = vector.broadcast %jit3A_909 : f32 to vector<16xf32>
      %select_n3A_911 = arith.select %gt3A_908, %broadcast_in_dim3A_910, %get3A_891 : vector<16xi1>, vector<16xf32>
      %mul3A_912 = vector.broadcast %squeeze3A_293 : f32 to vector<16xf32>
      %mul3A_913 = arith.mulf %mul3A_912, %select_n3A_905 : vector<16xf32>
      %mul3A_914 = vector.broadcast %squeeze3A_309 : f32 to vector<16xf32>
      %mul3A_915 = arith.mulf %mul3A_914, %select_n3A_911 : vector<16xf32>
      %add3A_916 = arith.addf %mul3A_913, %mul3A_915 : vector<16xf32>
      %swap3A_917 = arith.constant 6 : i32
      %swap3A_918 = arith.index_cast %swap3A_917 : i32 to index
      %swap3A_919 = arith.index_cast %mul3A_647 : i32 to index
      %swap3A_920 = tpu.vector_load %arg15[%swap3A_918, %swap3A_919] {strides = array<i32>} : memref<8x164xf32, #tpu.memory_space<vmem>>, vector<16xf32>,
      tpu.vector_store %arg15[%swap3A_918, %swap3A_919], %add3A_916 {strides = array<i32>} : memref<8x164xf32, #tpu.memory_space<vmem>>, vector<16xf32>,
      %add3A_921 = arith.addi %squeeze3A_263, %mul3A_647 : i32
      %get3A_922 = arith.constant 7 : i32
      %get3A_923 = arith.index_cast %get3A_922 : i32 to index
      %get3A_924 = arith.index_cast %add3A_921 : i32 to index
      %get3A_925 = tpu.vector_load %arg13[%get3A_923, %get3A_924] {strides = array<i32>} : memref<8x656xf32, #tpu.memory_space<vmem>>, vector<16xf32>,
      %add3A_926 = arith.addi %squeeze3A_279, %mul3A_647 : i32
      %get3A_927 = arith.constant 7 : i32
      %get3A_928 = arith.index_cast %get3A_927 : i32 to index
      %get3A_929 = arith.index_cast %add3A_926 : i32 to index
      %get3A_930 = tpu.vector_load %arg14[%get3A_928, %get3A_929] {strides = array<i32>} : memref<8x656xf32, #tpu.memory_space<vmem>>, vector<16xf32>,
      %bitcast3A_931 = vector.bitcast %get3A_925 : vector<16xf32> to vector<16xi32>
      %and3A_932 = arith.constant 2147483647 : i32
      %and3A_933 = vector.broadcast %and3A_932 : i32 to vector<16xi32>
      %and3A_934 = arith.andi %bitcast3A_931, %and3A_933 : vector<16xi32>
      %bitcast3A_935 = vector.bitcast %get3A_930 : vector<16xf32> to vector<16xi32>
      %and3A_936 = arith.constant 2147483647 : i32
      %and3A_937 = vector.broadcast %and3A_936 : i32 to vector<16xi32>
      %and3A_938 = arith.andi %bitcast3A_935, %and3A_937 : vector<16xi32>
      %gt3A_939 = arith.constant 2139095040 : i32
      %gt3A_940 = vector.broadcast %gt3A_939 : i32 to vector<16xi32>
      %gt3A_941 = arith.cmpi sgt, %and3A_934, %gt3A_940 : vector<16xi32>
      %jit3A_942 = arith.constant 0.000000e+00 : f32
      %broadcast_in_dim3A_943 = vector.broadcast %jit3A_942 : f32 to vector<16xf32>
      %select_n3A_944 = arith.select %gt3A_941, %broadcast_in_dim3A_943, %get3A_925 : vector<16xi1>, vector<16xf32>
      %gt3A_945 = arith.constant 2139095040 : i32
      %gt3A_946 = vector.broadcast %gt3A_945 : i32 to vector<16xi32>
      %gt3A_947 = arith.cmpi sgt, %and3A_938, %gt3A_946 : vector<16xi32>
      %jit3A_948 = arith.constant 0.000000e+00 : f32
      %broadcast_in_dim3A_949 = vector.broadcast %jit3A_948 : f32 to vector<16xf32>
      %select_n3A_950 = arith.select %gt3A_947, %broadcast_in_dim3A_949, %get3A_930 : vector<16xi1>, vector<16xf32>
      %mul3A_951 = vector.broadcast %squeeze3A_295 : f32 to vector<16xf32>
      %mul3A_952 = arith.mulf %mul3A_951, %select_n3A_944 : vector<16xf32>
      %mul3A_953 = vector.broadcast %squeeze3A_311 : f32 to vector<16xf32>
      %mul3A_954 = arith.mulf %mul3A_953, %select_n3A_950 : vector<16xf32>
      %add3A_955 = arith.addf %mul3A_952, %mul3A_954 : vector<16xf32>
      %swap3A_956 = arith.constant 7 : i32
      %swap3A_957 = arith.index_cast %swap3A_956 : i32 to index
      %swap3A_958 = arith.index_cast %mul3A_647 : i32 to index
      %swap3A_959 = tpu.vector_load %arg15[%swap3A_957, %swap3A_958] {strides = array<i32>} : memref<8x164xf32, #tpu.memory_space<vmem>>, vector<16xf32>,
      tpu.vector_store %arg15[%swap3A_957, %swap3A_958], %add3A_955 {strides = array<i32>} : memref<8x164xf32, #tpu.memory_space<vmem>>, vector<16xf32>,
    }
    %scan3A_317 = arith.constant 10 : i32
    %add3A_318 = arith.constant 148 : i32
    %add3A_319 = arith.addi %squeeze3A, %add3A_318 : i32
    %get3A = arith.constant 0 : i32
    %get3A_320 = arith.index_cast %get3A : i32 to index
    %get3A_321 = arith.index_cast %add3A_319 : i32 to index
    %get3A_322 = tpu.vector_load %arg13[%get3A_320, %get3A_321] {strides = array<i32>} : memref<8x656xf32, #tpu.memory_space<vmem>>, vector<16xf32>,
    %add3A_323 = arith.constant 148 : i32
    %add3A_324 = arith.addi %squeeze3A_265, %add3A_323 : i32
    %get3A_325 = arith.constant 0 : i32
    %get3A_326 = arith.index_cast %get3A_325 : i32 to index
    %get3A_327 = arith.index_cast %add3A_324 : i32 to index
    %get3A_328 = tpu.vector_load %arg14[%get3A_326, %get3A_327] {strides = array<i32>} : memref<8x656xf32, #tpu.memory_space<vmem>>, vector<16xf32>,
    %bitcast3A = vector.bitcast %get3A_322 : vector<16xf32> to vector<16xi32>
    %and3A_329 = arith.constant 2147483647 : i32
    %and3A_330 = vector.broadcast %and3A_329 : i32 to vector<16xi32>
    %and3A_331 = arith.andi %bitcast3A, %and3A_330 : vector<16xi32>
    %bitcast3A_332 = vector.bitcast %get3A_328 : vector<16xf32> to vector<16xi32>
    %and3A_333 = arith.constant 2147483647 : i32
    %and3A_334 = vector.broadcast %and3A_333 : i32 to vector<16xi32>
    %and3A_335 = arith.andi %bitcast3A_332, %and3A_334 : vector<16xi32>
    %gt3A = arith.constant 2139095040 : i32
    %gt3A_336 = vector.broadcast %gt3A : i32 to vector<16xi32>
    %gt3A_337 = arith.cmpi sgt, %and3A_331, %gt3A_336 : vector<16xi32>
    %jit3A_338 = arith.constant 0.000000e+00 : f32
    %broadcast_in_dim3A_339 = vector.broadcast %jit3A_338 : f32 to vector<16xf32>
    %select_n3A_340 = arith.select %gt3A_337, %broadcast_in_dim3A_339, %get3A_322 : vector<16xi1>, vector<16xf32>
    %gt3A_341 = arith.constant 2139095040 : i32
    %gt3A_342 = vector.broadcast %gt3A_341 : i32 to vector<16xi32>
    %gt3A_343 = arith.cmpi sgt, %and3A_335, %gt3A_342 : vector<16xi32>
    %jit3A_344 = arith.constant 0.000000e+00 : f32
    %broadcast_in_dim3A_345 = vector.broadcast %jit3A_344 : f32 to vector<16xf32>
    %select_n3A_346 = arith.select %gt3A_343, %broadcast_in_dim3A_345, %get3A_328 : vector<16xi1>, vector<16xf32>
    %mul3A_347 = vector.broadcast %squeeze3A_281 : f32 to vector<16xf32>
    %mul3A_348 = arith.mulf %mul3A_347, %select_n3A_340 : vector<16xf32>
    %mul3A_349 = vector.broadcast %squeeze3A_297 : f32 to vector<16xf32>
    %mul3A_350 = arith.mulf %mul3A_349, %select_n3A_346 : vector<16xf32>
    %add3A_351 = arith.addf %mul3A_348, %mul3A_350 : vector<16xf32>
    %swap3A_352 = arith.constant 0 : i32
    %swap3A_353 = arith.index_cast %swap3A_352 : i32 to index
    %swap3A_354 = arith.constant 148 : index
    %swap3A_355 = tpu.vector_load %arg15[%swap3A_353, %swap3A_354] {strides = array<i32>} : memref<8x164xf32, #tpu.memory_space<vmem>>, vector<16xf32>,
    tpu.vector_store %arg15[%swap3A_353, %swap3A_354], %add3A_351 {strides = array<i32>} : memref<8x164xf32, #tpu.memory_space<vmem>>, vector<16xf32>,
    %add3A_356 = arith.constant 148 : i32
    %add3A_357 = arith.addi %squeeze3A_251, %add3A_356 : i32
    %get3A_358 = arith.constant 1 : i32
    %get3A_359 = arith.index_cast %get3A_358 : i32 to index
    %get3A_360 = arith.index_cast %add3A_357 : i32 to index
    %get3A_361 = tpu.vector_load %arg13[%get3A_359, %get3A_360] {strides = array<i32>} : memref<8x656xf32, #tpu.memory_space<vmem>>, vector<16xf32>,
    %add3A_362 = arith.constant 148 : i32
    %add3A_363 = arith.addi %squeeze3A_267, %add3A_362 : i32
    %get3A_364 = arith.constant 1 : i32
    %get3A_365 = arith.index_cast %get3A_364 : i32 to index
    %get3A_366 = arith.index_cast %add3A_363 : i32 to index
    %get3A_367 = tpu.vector_load %arg14[%get3A_365, %get3A_366] {strides = array<i32>} : memref<8x656xf32, #tpu.memory_space<vmem>>, vector<16xf32>,
    %bitcast3A_368 = vector.bitcast %get3A_361 : vector<16xf32> to vector<16xi32>
    %and3A_369 = arith.constant 2147483647 : i32
    %and3A_370 = vector.broadcast %and3A_369 : i32 to vector<16xi32>
    %and3A_371 = arith.andi %bitcast3A_368, %and3A_370 : vector<16xi32>
    %bitcast3A_372 = vector.bitcast %get3A_367 : vector<16xf32> to vector<16xi32>
    %and3A_373 = arith.constant 2147483647 : i32
    %and3A_374 = vector.broadcast %and3A_373 : i32 to vector<16xi32>
    %and3A_375 = arith.andi %bitcast3A_372, %and3A_374 : vector<16xi32>
    %gt3A_376 = arith.constant 2139095040 : i32
    %gt3A_377 = vector.broadcast %gt3A_376 : i32 to vector<16xi32>
    %gt3A_378 = arith.cmpi sgt, %and3A_371, %gt3A_377 : vector<16xi32>
    %jit3A_379 = arith.constant 0.000000e+00 : f32
    %broadcast_in_dim3A_380 = vector.broadcast %jit3A_379 : f32 to vector<16xf32>
    %select_n3A_381 = arith.select %gt3A_378, %broadcast_in_dim3A_380, %get3A_361 : vector<16xi1>, vector<16xf32>
    %gt3A_382 = arith.constant 2139095040 : i32
    %gt3A_383 = vector.broadcast %gt3A_382 : i32 to vector<16xi32>
    %gt3A_384 = arith.cmpi sgt, %and3A_375, %gt3A_383 : vector<16xi32>
    %jit3A_385 = arith.constant 0.000000e+00 : f32
    %broadcast_in_dim3A_386 = vector.broadcast %jit3A_385 : f32 to vector<16xf32>
    %select_n3A_387 = arith.select %gt3A_384, %broadcast_in_dim3A_386, %get3A_367 : vector<16xi1>, vector<16xf32>
    %mul3A_388 = vector.broadcast %squeeze3A_283 : f32 to vector<16xf32>
    %mul3A_389 = arith.mulf %mul3A_388, %select_n3A_381 : vector<16xf32>
    %mul3A_390 = vector.broadcast %squeeze3A_299 : f32 to vector<16xf32>
    %mul3A_391 = arith.mulf %mul3A_390, %select_n3A_387 : vector<16xf32>
    %add3A_392 = arith.addf %mul3A_389, %mul3A_391 : vector<16xf32>
    %swap3A_393 = arith.constant 1 : i32
    %swap3A_394 = arith.index_cast %swap3A_393 : i32 to index
    %swap3A_395 = arith.constant 148 : index
    %swap3A_396 = tpu.vector_load %arg15[%swap3A_394, %swap3A_395] {strides = array<i32>} : memref<8x164xf32, #tpu.memory_space<vmem>>, vector<16xf32>,
    tpu.vector_store %arg15[%swap3A_394, %swap3A_395], %add3A_392 {strides = array<i32>} : memref<8x164xf32, #tpu.memory_space<vmem>>, vector<16xf32>,
    %add3A_397 = arith.constant 148 : i32
    %add3A_398 = arith.addi %squeeze3A_253, %add3A_397 : i32
    %get3A_399 = arith.constant 2 : i32
    %get3A_400 = arith.index_cast %get3A_399 : i32 to index
    %get3A_401 = arith.index_cast %add3A_398 : i32 to index
    %get3A_402 = tpu.vector_load %arg13[%get3A_400, %get3A_401] {strides = array<i32>} : memref<8x656xf32, #tpu.memory_space<vmem>>, vector<16xf32>,
    %add3A_403 = arith.constant 148 : i32
    %add3A_404 = arith.addi %squeeze3A_269, %add3A_403 : i32
    %get3A_405 = arith.constant 2 : i32
    %get3A_406 = arith.index_cast %get3A_405 : i32 to index
    %get3A_407 = arith.index_cast %add3A_404 : i32 to index
    %get3A_408 = tpu.vector_load %arg14[%get3A_406, %get3A_407] {strides = array<i32>} : memref<8x656xf32, #tpu.memory_space<vmem>>, vector<16xf32>,
    %bitcast3A_409 = vector.bitcast %get3A_402 : vector<16xf32> to vector<16xi32>
    %and3A_410 = arith.constant 2147483647 : i32
    %and3A_411 = vector.broadcast %and3A_410 : i32 to vector<16xi32>
    %and3A_412 = arith.andi %bitcast3A_409, %and3A_411 : vector<16xi32>
    %bitcast3A_413 = vector.bitcast %get3A_408 : vector<16xf32> to vector<16xi32>
    %and3A_414 = arith.constant 2147483647 : i32
    %and3A_415 = vector.broadcast %and3A_414 : i32 to vector<16xi32>
    %and3A_416 = arith.andi %bitcast3A_413, %and3A_415 : vector<16xi32>
    %gt3A_417 = arith.constant 2139095040 : i32
    %gt3A_418 = vector.broadcast %gt3A_417 : i32 to vector<16xi32>
    %gt3A_419 = arith.cmpi sgt, %and3A_412, %gt3A_418 : vector<16xi32>
    %jit3A_420 = arith.constant 0.000000e+00 : f32
    %broadcast_in_dim3A_421 = vector.broadcast %jit3A_420 : f32 to vector<16xf32>
    %select_n3A_422 = arith.select %gt3A_419, %broadcast_in_dim3A_421, %get3A_402 : vector<16xi1>, vector<16xf32>
    %gt3A_423 = arith.constant 2139095040 : i32
    %gt3A_424 = vector.broadcast %gt3A_423 : i32 to vector<16xi32>
    %gt3A_425 = arith.cmpi sgt, %and3A_416, %gt3A_424 : vector<16xi32>
    %jit3A_426 = arith.constant 0.000000e+00 : f32
    %broadcast_in_dim3A_427 = vector.broadcast %jit3A_426 : f32 to vector<16xf32>
    %select_n3A_428 = arith.select %gt3A_425, %broadcast_in_dim3A_427, %get3A_408 : vector<16xi1>, vector<16xf32>
    %mul3A_429 = vector.broadcast %squeeze3A_285 : f32 to vector<16xf32>
    %mul3A_430 = arith.mulf %mul3A_429, %select_n3A_422 : vector<16xf32>
    %mul3A_431 = vector.broadcast %squeeze3A_301 : f32 to vector<16xf32>
    %mul3A_432 = arith.mulf %mul3A_431, %select_n3A_428 : vector<16xf32>
    %add3A_433 = arith.addf %mul3A_430, %mul3A_432 : vector<16xf32>
    %swap3A_434 = arith.constant 2 : i32
    %swap3A_435 = arith.index_cast %swap3A_434 : i32 to index
    %swap3A_436 = arith.constant 148 : index
    %swap3A_437 = tpu.vector_load %arg15[%swap3A_435, %swap3A_436] {strides = array<i32>} : memref<8x164xf32, #tpu.memory_space<vmem>>, vector<16xf32>,
    tpu.vector_store %arg15[%swap3A_435, %swap3A_436], %add3A_433 {strides = array<i32>} : memref<8x164xf32, #tpu.memory_space<vmem>>, vector<16xf32>,
    %add3A_438 = arith.constant 148 : i32
    %add3A_439 = arith.addi %squeeze3A_255, %add3A_438 : i32
    %get3A_440 = arith.constant 3 : i32
    %get3A_441 = arith.index_cast %get3A_440 : i32 to index
    %get3A_442 = arith.index_cast %add3A_439 : i32 to index
    %get3A_443 = tpu.vector_load %arg13[%get3A_441, %get3A_442] {strides = array<i32>} : memref<8x656xf32, #tpu.memory_space<vmem>>, vector<16xf32>,
    %add3A_444 = arith.constant 148 : i32
    %add3A_445 = arith.addi %squeeze3A_271, %add3A_444 : i32
    %get3A_446 = arith.constant 3 : i32
    %get3A_447 = arith.index_cast %get3A_446 : i32 to index
    %get3A_448 = arith.index_cast %add3A_445 : i32 to index
    %get3A_449 = tpu.vector_load %arg14[%get3A_447, %get3A_448] {strides = array<i32>} : memref<8x656xf32, #tpu.memory_space<vmem>>, vector<16xf32>,
    %bitcast3A_450 = vector.bitcast %get3A_443 : vector<16xf32> to vector<16xi32>
    %and3A_451 = arith.constant 2147483647 : i32
    %and3A_452 = vector.broadcast %and3A_451 : i32 to vector<16xi32>
    %and3A_453 = arith.andi %bitcast3A_450, %and3A_452 : vector<16xi32>
    %bitcast3A_454 = vector.bitcast %get3A_449 : vector<16xf32> to vector<16xi32>
    %and3A_455 = arith.constant 2147483647 : i32
    %and3A_456 = vector.broadcast %and3A_455 : i32 to vector<16xi32>
    %and3A_457 = arith.andi %bitcast3A_454, %and3A_456 : vector<16xi32>
    %gt3A_458 = arith.constant 2139095040 : i32
    %gt3A_459 = vector.broadcast %gt3A_458 : i32 to vector<16xi32>
    %gt3A_460 = arith.cmpi sgt, %and3A_453, %gt3A_459 : vector<16xi32>
    %jit3A_461 = arith.constant 0.000000e+00 : f32
    %broadcast_in_dim3A_462 = vector.broadcast %jit3A_461 : f32 to vector<16xf32>
    %select_n3A_463 = arith.select %gt3A_460, %broadcast_in_dim3A_462, %get3A_443 : vector<16xi1>, vector<16xf32>
    %gt3A_464 = arith.constant 2139095040 : i32
    %gt3A_465 = vector.broadcast %gt3A_464 : i32 to vector<16xi32>
    %gt3A_466 = arith.cmpi sgt, %and3A_457, %gt3A_465 : vector<16xi32>
    %jit3A_467 = arith.constant 0.000000e+00 : f32
    %broadcast_in_dim3A_468 = vector.broadcast %jit3A_467 : f32 to vector<16xf32>
    %select_n3A_469 = arith.select %gt3A_466, %broadcast_in_dim3A_468, %get3A_449 : vector<16xi1>, vector<16xf32>
    %mul3A_470 = vector.broadcast %squeeze3A_287 : f32 to vector<16xf32>
    %mul3A_471 = arith.mulf %mul3A_470, %select_n3A_463 : vector<16xf32>
    %mul3A_472 = vector.broadcast %squeeze3A_303 : f32 to vector<16xf32>
    %mul3A_473 = arith.mulf %mul3A_472, %select_n3A_469 : vector<16xf32>
    %add3A_474 = arith.addf %mul3A_471, %mul3A_473 : vector<16xf32>
    %swap3A_475 = arith.constant 3 : i32
    %swap3A_476 = arith.index_cast %swap3A_475 : i32 to index
    %swap3A_477 = arith.constant 148 : index
    %swap3A_478 = tpu.vector_load %arg15[%swap3A_476, %swap3A_477] {strides = array<i32>} : memref<8x164xf32, #tpu.memory_space<vmem>>, vector<16xf32>,
    tpu.vector_store %arg15[%swap3A_476, %swap3A_477], %add3A_474 {strides = array<i32>} : memref<8x164xf32, #tpu.memory_space<vmem>>, vector<16xf32>,
    %add3A_479 = arith.constant 148 : i32
    %add3A_480 = arith.addi %squeeze3A_257, %add3A_479 : i32
    %get3A_481 = arith.constant 4 : i32
    %get3A_482 = arith.index_cast %get3A_481 : i32 to index
    %get3A_483 = arith.index_cast %add3A_480 : i32 to index
    %get3A_484 = tpu.vector_load %arg13[%get3A_482, %get3A_483] {strides = array<i32>} : memref<8x656xf32, #tpu.memory_space<vmem>>, vector<16xf32>,
    %add3A_485 = arith.constant 148 : i32
    %add3A_486 = arith.addi %squeeze3A_273, %add3A_485 : i32
    %get3A_487 = arith.constant 4 : i32
    %get3A_488 = arith.index_cast %get3A_487 : i32 to index
    %get3A_489 = arith.index_cast %add3A_486 : i32 to index
    %get3A_490 = tpu.vector_load %arg14[%get3A_488, %get3A_489] {strides = array<i32>} : memref<8x656xf32, #tpu.memory_space<vmem>>, vector<16xf32>,
    %bitcast3A_491 = vector.bitcast %get3A_484 : vector<16xf32> to vector<16xi32>
    %and3A_492 = arith.constant 2147483647 : i32
    %and3A_493 = vector.broadcast %and3A_492 : i32 to vector<16xi32>
    %and3A_494 = arith.andi %bitcast3A_491, %and3A_493 : vector<16xi32>
    %bitcast3A_495 = vector.bitcast %get3A_490 : vector<16xf32> to vector<16xi32>
    %and3A_496 = arith.constant 2147483647 : i32
    %and3A_497 = vector.broadcast %and3A_496 : i32 to vector<16xi32>
    %and3A_498 = arith.andi %bitcast3A_495, %and3A_497 : vector<16xi32>
    %gt3A_499 = arith.constant 2139095040 : i32
    %gt3A_500 = vector.broadcast %gt3A_499 : i32 to vector<16xi32>
    %gt3A_501 = arith.cmpi sgt, %and3A_494, %gt3A_500 : vector<16xi32>
    %jit3A_502 = arith.constant 0.000000e+00 : f32
    %broadcast_in_dim3A_503 = vector.broadcast %jit3A_502 : f32 to vector<16xf32>
    %select_n3A_504 = arith.select %gt3A_501, %broadcast_in_dim3A_503, %get3A_484 : vector<16xi1>, vector<16xf32>
    %gt3A_505 = arith.constant 2139095040 : i32
    %gt3A_506 = vector.broadcast %gt3A_505 : i32 to vector<16xi32>
    %gt3A_507 = arith.cmpi sgt, %and3A_498, %gt3A_506 : vector<16xi32>
    %jit3A_508 = arith.constant 0.000000e+00 : f32
    %broadcast_in_dim3A_509 = vector.broadcast %jit3A_508 : f32 to vector<16xf32>
    %select_n3A_510 = arith.select %gt3A_507, %broadcast_in_dim3A_509, %get3A_490 : vector<16xi1>, vector<16xf32>
    %mul3A_511 = vector.broadcast %squeeze3A_289 : f32 to vector<16xf32>
    %mul3A_512 = arith.mulf %mul3A_511, %select_n3A_504 : vector<16xf32>
    %mul3A_513 = vector.broadcast %squeeze3A_305 : f32 to vector<16xf32>
    %mul3A_514 = arith.mulf %mul3A_513, %select_n3A_510 : vector<16xf32>
    %add3A_515 = arith.addf %mul3A_512, %mul3A_514 : vector<16xf32>
    %swap3A_516 = arith.constant 4 : i32
    %swap3A_517 = arith.index_cast %swap3A_516 : i32 to index
    %swap3A_518 = arith.constant 148 : index
    %swap3A_519 = tpu.vector_load %arg15[%swap3A_517, %swap3A_518] {strides = array<i32>} : memref<8x164xf32, #tpu.memory_space<vmem>>, vector<16xf32>,
    tpu.vector_store %arg15[%swap3A_517, %swap3A_518], %add3A_515 {strides = array<i32>} : memref<8x164xf32, #tpu.memory_space<vmem>>, vector<16xf32>,
    %add3A_520 = arith.constant 148 : i32
    %add3A_521 = arith.addi %squeeze3A_259, %add3A_520 : i32
    %get3A_522 = arith.constant 5 : i32
    %get3A_523 = arith.index_cast %get3A_522 : i32 to index
    %get3A_524 = arith.index_cast %add3A_521 : i32 to index
    %get3A_525 = tpu.vector_load %arg13[%get3A_523, %get3A_524] {strides = array<i32>} : memref<8x656xf32, #tpu.memory_space<vmem>>, vector<16xf32>,
    %add3A_526 = arith.constant 148 : i32
    %add3A_527 = arith.addi %squeeze3A_275, %add3A_526 : i32
    %get3A_528 = arith.constant 5 : i32
    %get3A_529 = arith.index_cast %get3A_528 : i32 to index
    %get3A_530 = arith.index_cast %add3A_527 : i32 to index
    %get3A_531 = tpu.vector_load %arg14[%get3A_529, %get3A_530] {strides = array<i32>} : memref<8x656xf32, #tpu.memory_space<vmem>>, vector<16xf32>,
    %bitcast3A_532 = vector.bitcast %get3A_525 : vector<16xf32> to vector<16xi32>
    %and3A_533 = arith.constant 2147483647 : i32
    %and3A_534 = vector.broadcast %and3A_533 : i32 to vector<16xi32>
    %and3A_535 = arith.andi %bitcast3A_532, %and3A_534 : vector<16xi32>
    %bitcast3A_536 = vector.bitcast %get3A_531 : vector<16xf32> to vector<16xi32>
    %and3A_537 = arith.constant 2147483647 : i32
    %and3A_538 = vector.broadcast %and3A_537 : i32 to vector<16xi32>
    %and3A_539 = arith.andi %bitcast3A_536, %and3A_538 : vector<16xi32>
    %gt3A_540 = arith.constant 2139095040 : i32
    %gt3A_541 = vector.broadcast %gt3A_540 : i32 to vector<16xi32>
    %gt3A_542 = arith.cmpi sgt, %and3A_535, %gt3A_541 : vector<16xi32>
    %jit3A_543 = arith.constant 0.000000e+00 : f32
    %broadcast_in_dim3A_544 = vector.broadcast %jit3A_543 : f32 to vector<16xf32>
    %select_n3A_545 = arith.select %gt3A_542, %broadcast_in_dim3A_544, %get3A_525 : vector<16xi1>, vector<16xf32>
    %gt3A_546 = arith.constant 2139095040 : i32
    %gt3A_547 = vector.broadcast %gt3A_546 : i32 to vector<16xi32>
    %gt3A_548 = arith.cmpi sgt, %and3A_539, %gt3A_547 : vector<16xi32>
    %jit3A_549 = arith.constant 0.000000e+00 : f32
    %broadcast_in_dim3A_550 = vector.broadcast %jit3A_549 : f32 to vector<16xf32>
    %select_n3A_551 = arith.select %gt3A_548, %broadcast_in_dim3A_550, %get3A_531 : vector<16xi1>, vector<16xf32>
    %mul3A_552 = vector.broadcast %squeeze3A_291 : f32 to vector<16xf32>
    %mul3A_553 = arith.mulf %mul3A_552, %select_n3A_545 : vector<16xf32>
    %mul3A_554 = vector.broadcast %squeeze3A_307 : f32 to vector<16xf32>
    %mul3A_555 = arith.mulf %mul3A_554, %select_n3A_551 : vector<16xf32>
    %add3A_556 = arith.addf %mul3A_553, %mul3A_555 : vector<16xf32>
    %swap3A_557 = arith.constant 5 : i32
    %swap3A_558 = arith.index_cast %swap3A_557 : i32 to index
    %swap3A_559 = arith.constant 148 : index
    %swap3A_560 = tpu.vector_load %arg15[%swap3A_558, %swap3A_559] {strides = array<i32>} : memref<8x164xf32, #tpu.memory_space<vmem>>, vector<16xf32>,
    tpu.vector_store %arg15[%swap3A_558, %swap3A_559], %add3A_556 {strides = array<i32>} : memref<8x164xf32, #tpu.memory_space<vmem>>, vector<16xf32>,
    %add3A_561 = arith.constant 148 : i32
    %add3A_562 = arith.addi %squeeze3A_261, %add3A_561 : i32
    %get3A_563 = arith.constant 6 : i32
    %get3A_564 = arith.index_cast %get3A_563 : i32 to index
    %get3A_565 = arith.index_cast %add3A_562 : i32 to index
    %get3A_566 = tpu.vector_load %arg13[%get3A_564, %get3A_565] {strides = array<i32>} : memref<8x656xf32, #tpu.memory_space<vmem>>, vector<16xf32>,
    %add3A_567 = arith.constant 148 : i32
    %add3A_568 = arith.addi %squeeze3A_277, %add3A_567 : i32
    %get3A_569 = arith.constant 6 : i32
    %get3A_570 = arith.index_cast %get3A_569 : i32 to index
    %get3A_571 = arith.index_cast %add3A_568 : i32 to index
    %get3A_572 = tpu.vector_load %arg14[%get3A_570, %get3A_571] {strides = array<i32>} : memref<8x656xf32, #tpu.memory_space<vmem>>, vector<16xf32>,
    %bitcast3A_573 = vector.bitcast %get3A_566 : vector<16xf32> to vector<16xi32>
    %and3A_574 = arith.constant 2147483647 : i32
    %and3A_575 = vector.broadcast %and3A_574 : i32 to vector<16xi32>
    %and3A_576 = arith.andi %bitcast3A_573, %and3A_575 : vector<16xi32>
    %bitcast3A_577 = vector.bitcast %get3A_572 : vector<16xf32> to vector<16xi32>
    %and3A_578 = arith.constant 2147483647 : i32
    %and3A_579 = vector.broadcast %and3A_578 : i32 to vector<16xi32>
    %and3A_580 = arith.andi %bitcast3A_577, %and3A_579 : vector<16xi32>
    %gt3A_581 = arith.constant 2139095040 : i32
    %gt3A_582 = vector.broadcast %gt3A_581 : i32 to vector<16xi32>
    %gt3A_583 = arith.cmpi sgt, %and3A_576, %gt3A_582 : vector<16xi32>
    %jit3A_584 = arith.constant 0.000000e+00 : f32
    %broadcast_in_dim3A_585 = vector.broadcast %jit3A_584 : f32 to vector<16xf32>
    %select_n3A_586 = arith.select %gt3A_583, %broadcast_in_dim3A_585, %get3A_566 : vector<16xi1>, vector<16xf32>
    %gt3A_587 = arith.constant 2139095040 : i32
    %gt3A_588 = vector.broadcast %gt3A_587 : i32 to vector<16xi32>
    %gt3A_589 = arith.cmpi sgt, %and3A_580, %gt3A_588 : vector<16xi32>
    %jit3A_590 = arith.constant 0.000000e+00 : f32
    %broadcast_in_dim3A_591 = vector.broadcast %jit3A_590 : f32 to vector<16xf32>
    %select_n3A_592 = arith.select %gt3A_589, %broadcast_in_dim3A_591, %get3A_572 : vector<16xi1>, vector<16xf32>
    %mul3A_593 = vector.broadcast %squeeze3A_293 : f32 to vector<16xf32>
    %mul3A_594 = arith.mulf %mul3A_593, %select_n3A_586 : vector<16xf32>
    %mul3A_595 = vector.broadcast %squeeze3A_309 : f32 to vector<16xf32>
    %mul3A_596 = arith.mulf %mul3A_595, %select_n3A_592 : vector<16xf32>
    %add3A_597 = arith.addf %mul3A_594, %mul3A_596 : vector<16xf32>
    %swap3A_598 = arith.constant 6 : i32
    %swap3A_599 = arith.index_cast %swap3A_598 : i32 to index
    %swap3A_600 = arith.constant 148 : index
    %swap3A_601 = tpu.vector_load %arg15[%swap3A_599, %swap3A_600] {strides = array<i32>} : memref<8x164xf32, #tpu.memory_space<vmem>>, vector<16xf32>,
    tpu.vector_store %arg15[%swap3A_599, %swap3A_600], %add3A_597 {strides = array<i32>} : memref<8x164xf32, #tpu.memory_space<vmem>>, vector<16xf32>,
    %add3A_602 = arith.constant 148 : i32
    %add3A_603 = arith.addi %squeeze3A_263, %add3A_602 : i32
    %get3A_604 = arith.constant 7 : i32
    %get3A_605 = arith.index_cast %get3A_604 : i32 to index
    %get3A_606 = arith.index_cast %add3A_603 : i32 to index
    %get3A_607 = tpu.vector_load %arg13[%get3A_605, %get3A_606] {strides = array<i32>} : memref<8x656xf32, #tpu.memory_space<vmem>>, vector<16xf32>,
    %add3A_608 = arith.constant 148 : i32
    %add3A_609 = arith.addi %squeeze3A_279, %add3A_608 : i32
    %get3A_610 = arith.constant 7 : i32
    %get3A_611 = arith.index_cast %get3A_610 : i32 to index
    %get3A_612 = arith.index_cast %add3A_609 : i32 to index
    %get3A_613 = tpu.vector_load %arg14[%get3A_611, %get3A_612] {strides = array<i32>} : memref<8x656xf32, #tpu.memory_space<vmem>>, vector<16xf32>,
    %bitcast3A_614 = vector.bitcast %get3A_607 : vector<16xf32> to vector<16xi32>
    %and3A_615 = arith.constant 2147483647 : i32
    %and3A_616 = vector.broadcast %and3A_615 : i32 to vector<16xi32>
    %and3A_617 = arith.andi %bitcast3A_614, %and3A_616 : vector<16xi32>
    %bitcast3A_618 = vector.bitcast %get3A_613 : vector<16xf32> to vector<16xi32>
    %and3A_619 = arith.constant 2147483647 : i32
    %and3A_620 = vector.broadcast %and3A_619 : i32 to vector<16xi32>
    %and3A_621 = arith.andi %bitcast3A_618, %and3A_620 : vector<16xi32>
    %gt3A_622 = arith.constant 2139095040 : i32
    %gt3A_623 = vector.broadcast %gt3A_622 : i32 to vector<16xi32>
    %gt3A_624 = arith.cmpi sgt, %and3A_617, %gt3A_623 : vector<16xi32>
    %jit3A_625 = arith.constant 0.000000e+00 : f32
    %broadcast_in_dim3A_626 = vector.broadcast %jit3A_625 : f32 to vector<16xf32>
    %select_n3A_627 = arith.select %gt3A_624, %broadcast_in_dim3A_626, %get3A_607 : vector<16xi1>, vector<16xf32>
    %gt3A_628 = arith.constant 2139095040 : i32
    %gt3A_629 = vector.broadcast %gt3A_628 : i32 to vector<16xi32>
    %gt3A_630 = arith.cmpi sgt, %and3A_621, %gt3A_629 : vector<16xi32>
    %jit3A_631 = arith.constant 0.000000e+00 : f32
    %broadcast_in_dim3A_632 = vector.broadcast %jit3A_631 : f32 to vector<16xf32>
    %select_n3A_633 = arith.select %gt3A_630, %broadcast_in_dim3A_632, %get3A_613 : vector<16xi1>, vector<16xf32>
    %mul3A_634 = vector.broadcast %squeeze3A_295 : f32 to vector<16xf32>
    %mul3A_635 = arith.mulf %mul3A_634, %select_n3A_627 : vector<16xf32>
    %mul3A_636 = vector.broadcast %squeeze3A_311 : f32 to vector<16xf32>
    %mul3A_637 = arith.mulf %mul3A_636, %select_n3A_633 : vector<16xf32>
    %add3A_638 = arith.addf %mul3A_635, %mul3A_637 : vector<16xf32>
    %swap3A_639 = arith.constant 7 : i32
    %swap3A_640 = arith.index_cast %swap3A_639 : i32 to index
    %swap3A_641 = arith.constant 148 : index
    %swap3A_642 = tpu.vector_load %arg15[%swap3A_640, %swap3A_641] {strides = array<i32>} : memref<8x164xf32, #tpu.memory_space<vmem>>, vector<16xf32>,
    tpu.vector_store %arg15[%swap3A_640, %swap3A_641], %add3A_638 {strides = array<i32>} : memref<8x164xf32, #tpu.memory_space<vmem>>, vector<16xf32>,
    %mul3A_643 = arith.constant 8 : i32
    %mul3A_644 = arith.muli %arg1, %mul3A_643 : i32
    "tpu.region"() ({
      %run_scoped3A = tpu.sem_alloc : memref<!tpu.dma_semaphore, #tpu.memory_space<semaphore_mem>>
      %dma_start3A_645 = arith.constant 0 : i32
      %dma_start3A_646 = tpu.memref_slice %arg3[%mul3A_644, %dma_start3A_645] : memref<128x164xf32, #tpu.memory_space<hbm>> -> memref<8x164xf32, #tpu.memory_space<hbm>>
      %dma_start3A_647 = arith.constant 0 : i32
      %dma_start3A_648 = tpu.memref_slice %arg3[%mul3A_644, %dma_start3A_647] : memref<128x164xf32, #tpu.memory_space<hbm>> -> memref<8x164xf32, #tpu.memory_space<hbm>>
      tpu.enqueue_dma source(%arg15 : memref<8x164xf32, #tpu.memory_space<vmem>>) target(%dma_start3A_648 : memref<8x164xf32, #tpu.memory_space<hbm>>) target_semaphore(%run_scoped3A : memref<!tpu.dma_semaphore, #tpu.memory_space<semaphore_mem>>)
      %dma_wait3A_649 = arith.constant 0 : i32
      %dma_wait3A_650 = tpu.memref_slice %arg3[%mul3A_644, %dma_wait3A_649] : memref<128x164xf32, #tpu.memory_space<hbm>> -> memref<8x164xf32, #tpu.memory_space<hbm>>
      %dma_wait3A_651 = arith.constant 0 : i32
      %dma_wait3A_652 = tpu.memref_slice %arg3[%mul3A_644, %dma_wait3A_651] : memref<128x164xf32, #tpu.memory_space<hbm>> -> memref<8x164xf32, #tpu.memory_space<hbm>>
      tpu.wait_dma2 semaphore(%run_scoped3A : memref<!tpu.dma_semaphore, #tpu.memory_space<semaphore_mem>>) src(%arg15 : memref<8x164xf32, #tpu.memory_space<vmem>>) dst(%dma_wait3A_652 : memref<8x164xf32, #tpu.memory_space<hbm>>)
      tpu.yield
    }) : () -> ()
    return
  }
}

</mosaic_0001>

<sc_bundles>
// kernel: kernel.3.cloned.1.call-start
scs
__scs_entry_jumppad:
0x0: {  	(pc) =	sbr.rel $0x88, $3  }
0x1: {  	(tag) =	ssettag $0x0;
	lr =	simm.s32 $0x1  }
0x2: {  	[smem:$0x3FA0] =	sst lr;
	_ =	strace $0xD0000000  }
0x3: {  	_ = 	snop  }
0x4: {  	_ = 	snop  }
0x5: {  	_ = 	snop  }
0x6: {  	_ = 	snop  }
0x7: {  	_ = 	snop  }
__scs_overlays_trampoline_lowered:
0x8: {  	[smem:$0x3FAF] =	sst s0  }
0x9: {  	[smem:$0x3FB0] =	sst s1  }
0xa: {  	[smem:$0x3FB1] =	sst s2  }
0xb: {  	[smem:$0x3FB2] =	sst s3  }
0xc: {  	[smem:$0x3FB3] =	sst s4  }
0xd: {  	[smem:$0x3FB4] =	sst s5  }
0xe: {  	[smem:$0x3FB5] =	sst s6  }
0xf: {  	[smem:$0x3FB6] =	sst s7  }
0x10: {  	[smem:$0x3FB7] =	sst s8  }
0x11: {  	[smem:$0x3FB8] =	sst s9;
	s0 =	simm.s32 @!p0 $0x0  }
0x12: {  	s1 =	sld [smem:$0x3F9E];
	s0 =	simm.s32 @p0 $0x1  }
0x13: {  	[smem:$0x3FB9] =	sst s0;
	s0 =	simm.s32 @!p1 $0x0  }
0x14: {  	s2 =	sld [smem:$0x3F9D];
	s0 =	simm.s32 @p1 $0x1  }
0x15: {  	[smem:$0x3FBA] =	sst s0;
	s0 =	simm.s32 @!p2 $0x0  }
0x16: {  	s3 =	sld [smem:$0x3FDB];
	s0 =	simm.s32 @p2 $0x1  }
0x17: {  	s4 =	simm.s32 $0x1BF5;
	[smem:$0x3FBC] =	sst s0  }
0x18: {  	s0 =	sld [smem:$0x3F9F];
	_ =	swait.ge [sflag:s4], $0x0  }
0x19: {  	s7 =	sld [smem:$0x3FA0]  }
0x1a: {  	s8 =	sadd.s32 $0xFFFFE003, lr  }
0x1b: {  	s9 =	sadd.s32 $0xFFFFFEF7, lr;
	s5 =	simm.s32 $0xFFFFFFFF;
	p2 =	slt.u32 s8, $0xFFFFF086  }
0x1c: {  	p1 =	slt.u32 s9, $0xF7A;
	s5 =	simm.s32 @!p2 $0x0  }
0x1d: {  	s5 =	simm.s32 @p1 $0x1;
	p0 =	seq.s32 s7, s2  }
0x1e: {  	s7 =	smul.u32 @!p0 $0xF7A, s2;
	p2 =	seq.s32 @!p0 s5, $0x0  }
0x1f: {  	s9 =	smul.u32 $0xF7A, s1;
	s8 =	simm.s32 @!p0 $0x1BF5;
	p2 =	por !p2, p0  }
0x20: {  	[sflag:s8] =	ssyncset.s32 @!p0 $0xFFFFF086;
	s6 =	sadd.s32 @!p0 s3, s7;
	s7 =	simm.s32 @!p0 $0x108  }
0x21: {  	s3 =	sadd.s32 s3, s9;
	s6 =	sadd.s32 @!p0 $0x88, s6;
	s7 =	simm.s32 @p2 $0x1082  }
0x22: {  	[simem:s7], [sflag:s8] =	dma.local @!p0 [hbm:s6], $0xF7A  }
0x23: {  	s9 =	sor.u32 $0xD0000000, s2;
	s6 =	simm.s32 $0x108;
	_ =	swait.ge @!p0 [sflag:s8], $0x0  }
0x24: {  	s3 =	sadd.s32 $0x88, s3;
	s6 =	simm.s32 @!p1 $0x1082;
	[sflag:s4] =	ssyncset.s32 $0xFFFFF086  }
0x25: {  	[simem:s6], [sflag:s4] =	dma.local [hbm:s3], $0xF7A  }
0x26: {  	[smem:$0x3FA0] =	sst s1;
	(tag) =	ssettag s2;
	_ =	strace s9  }
0x27: {  	s1 =	sld [smem:$0x3FB0]  }
0x28: {  	s2 =	sld [smem:$0x3FB1]  }
0x29: {  	s4 =	sld [smem:$0x3FB3]  }
0x2a: {  	p0 =	seq.s32 s5, $0x0;
	s5 =	sld [smem:$0x3FB4]  }
0x2b: {  	s6 =	sld [smem:$0x3FB5]  }
0x2c: {  	s7 =	sld [smem:$0x3FB6]  }
0x2d: {  	s3 =	simm.s32 $0x108;
	s8 =	sld [smem:$0x3FB7]  }
0x2e: {  	s3 =	simm.s32 @!p0 $0x1082;
	s9 =	sld [smem:$0x3FB8]  }
0x2f: {  	lr =	sadd.s32 s0, s3;
	s0 =	sld [smem:$0x3FAF]  }
0x30: {  	s3 =	sld [smem:$0x3FB2]  }
0x31: {  	[smem:$0x3FBB] =	sst s10  }
0x32: {  	s10 =	sld [smem:$0x3FB9];
	_ =	sdelay $0x3  }
0x33: {  	p0 =	seq.s32 s10, $0x1;
	s10 =	sld [smem:$0x3FBB];
	_ =	sdelay $0x3  }
0x34: {  	[smem:$0x3FBB] =	sst s10  }
0x35: {  	s10 =	sld [smem:$0x3FBA];
	_ =	sdelay $0x3  }
0x36: {  	p1 =	seq.s32 s10, $0x1;
	s10 =	sld [smem:$0x3FBB];
	_ =	sdelay $0x3  }
0x37: {  	[smem:$0x3FBB] =	sst s10  }
0x38: {  	s10 =	sld [smem:$0x3FBC]  }
0x39: {  	_ = 	snop;
	(pc) =	sbr.ind lr, $3  }
0x3a: {  	_ = 	snop  }
0x3b: {  	_ = 	snop  }
0x3c: {  	p2 =	seq.s32 s10, $0x1;
	s10 =	sld [smem:$0x3FBB]  }
0x3d: {  	_ =	shalt  }
0x3e: {  	_ =	shalt  }
0x3f: {  	_ =	shalt  }
0x40: {  	_ =	shalt  }
0x41: {  	_ =	shalt  }
0x42: {  	_ =	shalt  }
0x43: {  	_ =	shalt  }
0x44: {  	_ =	shalt  }
0x45: {  	_ =	shalt  }
0x46: {  	_ =	shalt  }
0x47: {  	_ =	shalt  }
0x48: {  	_ =	shalt  }
0x49: {  	_ =	shalt  }
0x4a: {  	_ =	shalt  }
0x4b: {  	_ =	shalt  }
0x4c: {  	_ =	shalt  }
0x4d: {  	_ =	shalt  }
0x4e: {  	_ =	shalt  }
0x4f: {  	_ =	shalt  }
0x50: {  	_ =	shalt  }
0x51: {  	_ =	shalt  }
0x52: {  	_ =	shalt  }
0x53: {  	_ =	shalt  }
0x54: {  	_ =	shalt  }
0x55: {  	_ =	shalt  }
0x56: {  	_ =	shalt  }
0x57: {  	_ =	shalt  }
0x58: {  	_ =	shalt  }
0x59: {  	_ =	shalt  }
0x5a: {  	_ =	shalt  }
0x5b: {  	_ =	shalt  }
0x5c: {  	_ =	shalt  }
0x5d: {  	_ =	shalt  }
0x5e: {  	_ =	shalt  }
0x5f: {  	_ =	shalt  }
0x60: {  	_ =	shalt  }
0x61: {  	_ =	shalt  }
0x62: {  	_ =	shalt  }
0x63: {  	_ =	shalt  }
0x64: {  	_ =	shalt  }
0x65: {  	_ =	shalt  }
0x66: {  	_ =	shalt  }
0x67: {  	_ =	shalt  }
0x68: {  	_ =	shalt  }
0x69: {  	_ =	shalt  }
0x6a: {  	_ =	shalt  }
0x6b: {  	_ =	shalt  }
0x6c: {  	_ =	shalt  }
0x6d: {  	_ =	shalt  }
0x6e: {  	_ =	shalt  }
0x6f: {  	_ =	shalt  }
0x70: {  	_ =	shalt  }
0x71: {  	_ =	shalt  }
0x72: {  	_ =	shalt  }
0x73: {  	_ =	shalt  }
0x74: {  	_ =	shalt  }
0x75: {  	_ =	shalt  }
0x76: {  	_ =	shalt  }
0x77: {  	_ =	shalt  }
0x78: {  	_ =	shalt  }
0x79: {  	_ =	shalt  }
0x7a: {  	_ =	shalt  }
0x7b: {  	_ =	shalt  }
0x7c: {  	_ =	shalt  }
0x7d: {  	_ =	shalt  }
0x7e: {  	_ =	shalt  }
0x7f: {  	_ =	shalt  }
0x80: {  	_ =	shalt  }
0x81: {  	_ =	shalt  }
0x82: {  	_ =	shalt  }
0x83: {  	_ =	shalt  }
0x84: {  	_ =	shalt  }
0x85: {  	_ =	shalt  }
0x86: {  	_ =	shalt  }
0x87: {  	_ =	shalt  }
.Lfunc_end0:
.L_simem_size_0:
called_computation_lowered:
.L_overlay_start_0:
0x88: {  	s0 =	sld [smem:$0x3FD9]  }
0x89: {  	s1 =	sld [smem:$0x3FFE];
	_ =	sdelay $0x3  }
0x8a: {  	s0 =	sadd.s32 s1, s0  }
0x8b: {  	[smem:$0x3FC7] =	sst s0  }
0x8c: {  	_ = 	snop  }
0x8d: {  	s0 =	sld [smem:$0x3FD0];
	(tm) =	ssettm $0x1  }
0x8e: {  	s16 =	sld [smem:$0x3FFB];
	_ =	sdelay $0x3  }
0x8f: {  	_ =	strace s16  }
0x90: {  	s1 =	sld [smem:$0x3FFC];
	_ =	sdelay $0x3  }
0x91: {  	_ =	strace s1  }
0x92: {  	s1 =	sld [smem:$0x3FFD];
	_ =	sdelay $0x3  }
0x93: {  	_ =	strace s1  }
0x94: {  	_ =	strace $0x8FFFFFFF  }
0x95: {  	s17 =	sld [smem:$0x3FDB];
	_ =	sdelay $0x1  }
0x96: {  	s2 =	simm.s32 $_scs_section_size  }
0x97: {  	s3 =	simm.s32 $_size__tile_overlayer_lowered;
	s4 =	simm.s32 $_tile_overlayer_lowered  }
0x98: {  	s20 =	simm.s32 $0x1BFF;
	s19 =	sshll.u32 s4, $0x1;
	s1 =	sadd.s32 s2, s17  }
0x99: {  	s5 =	simm.s32 $0x0;
	s18 =	sshll.u32 s3, $0x1;
	s3 =	sadd.s32 s19, s1  }
0x9a: {  	[timem:s5], [sflag:s20] =	dma.local [hbm:s3], s18  }
0x9b: {  	_ =	swait.ge [sflag:s20], s18  }
0x9c: {  	s2 =	ssub.s32 $0x0, s18;
	[sflag:s20] =	ssyncset.done $0x0  }
0x9d: {  	[sflag:s20] =	ssyncadd.s32 s2;
	_ =	sdelay $0x1  }
0x9e: {  	s21 =	simm.s32 $0x1B8B  }
0x9f: {  	_ =	swait.ge [sflag:s21], $0x1  }
0xa0: {  	[sflag:s21] =	ssyncset.done $0x0  }
0xa1: {  	s23 =	simm.s32 $0x1B8E;
	s22 =	sld [smem:$0x3FFE];
	[sflag:s21] =	ssyncadd.s32 $0xFFFFFFFF  }
0xa2: {  	s24 =	simm.s32 $execute0_lowered;
	[smem:$0x3FD2] =	sst s23  }
0xa3: {  	s3 =	sshll.u32 s24, $0x1;
	_ =	strace $0x80000046;
	[dreg:$0x1] =	wrdreg $0xFFFFFFFF  }
0xa4: {  	s25 =	simm.s32 $_size_execute0_lowered;
	s1 =	sadd.s32 s1, s3;
	[dreg:$0x0] =	wrdreg $0x0  }
0xa5: {  	s3 =	sshll.u32 s25, $0x1;
	[dreg:$0x2] =	wrdreg s1  }
0xa6: {  	[dreg:$0x3] =	wrdreg s3  }
0xa7: {  	[dreg:$0x4] =	wrdreg $0xC0  }
0xa8: {  	_ =	task [dreg:s5], $0x5FFFF  }
0xa9: {  	[dreg:$0x1] =	wrdreg $0xFFFFFFFF  }
0xaa: {  	[dreg:$0x0] =	wrdreg $0x60  }
0xab: {  	[dreg:$0x2] =	wrdreg s22  }
0xac: {  	[dreg:$0x3] =	wrdreg s0  }
0xad: {  	[dreg:$0x4] =	wrdreg $0xE4900  }
0xae: {  	[dreg:$0x5] =	wrdreg $0xE4A00  }
0xaf: {  	[dreg:$0x6] =	wrdreg $0x9  }
0xb0: {  	_ =	task.clear_ibuf [dreg:s5], $0x7FFFF;
	_ =	strace $0x90000046  }
0xb1: {  	s26 =	simm.s32 $0x9;
	_ =	strace $0x80000048  }
0xb2: {  	_ =	swait.ge [sflag:s26], $0x1  }
0xb3: {  	[sflag:s26] =	ssyncadd.s32 $0xFFFFFFFF  }
0xb4: {  	_ =	strace $0x90000048  }
0xb5: {  	_ =	sfence  }
0xb6: {  	s28 =	sld [smem:$0x0];
	_ =	sdelay $0x1  }
0xb7: {  	s29 =	srdreg.scid  }
0xb8: {  	s30 =	sshll.u32 s29, $0xD;
	s31 =	sshrl.u32 s29, $0x2  }
0xb9: {  	s2 =	sand.u32 $0x4000, s30;
	s1 =	sand.u32 $0x1, s29;
	s0 =	sadd.s32 s31, s28  }
0xba: {  	s1 =	sor.u32 s2, s1;
	s0 =	sshll.u32 s0, $0x11  }
0xbb: {  	s0 =	sor.u32 s0, s1  }
0xbc: {  	s0 =	sadd.s32 $0x8F2B, s0  }
0xbd: {  	[sflag:s0] =	ssyncadd.remote.s32 $0x1  }
0xbe: {  	_ =	sfence.sel $0xFFFF  }
0xbf: {  	[dreg:$0x0] =	wrdreg $0xFFFFFFFF;
	(pc) =	sbr.abs _section_cstart, $3  }
0xc0: {  	[dreg:$0x1] =	wrdreg $0xFFFFFFFF  }
0xc1: {  	_ =	task.clear_ibuf [dreg:s5], $0x2FFFF;
	_ =	strace $0x9FFFFFFF  }
0xc2: {  	(tm) =	ssettm $0x7FFFFFFF  }
0xc3: {  	_ =	shalt  }
tec
execute0_lowered:
.L_overlay_start_1:
0x0: {  	(tag) =	ssettag $0x1  }
0x1: {  	s3 =	rddreg [dreg:$0x0]  }
0x2: {  	s2 =	rddreg [dreg:$0x1]  }
0x3: {  	s5 =	rddreg [dreg:$0x2]  }
0x4: {  	s4 =	rddreg [dreg:$0x3];
	s1 =	stileid.u32  }
0x5: {  	s0 =	rddreg [dreg:$0x4];
	s6 =	simm.s32 $0x0;
	s7 =	smul.u32 $0x1480, s1  }
0x6: {  	[smem:$0x7FF] =	sst s6;
	s3 =	sadd.s32 $0x400, s3  }
0x7: {  	s31 =	simm.s32 $0x3;
	_ =	strace $0x80000047;
	s7 =	sadd.s32 s3, s7  }
0x8: {  	[tilespmem:s6], [sflag:$0x3] =	stream.linear.gather [hbm4b:s7+s6], $0xA400, $0x38;
	[tilespmem:$0xE5A0] =	vst v63  }
0x9: {  	v0 =	vlaneseq.u32;
	_ =	swait.ge [sflag:s31], $0xA400  }
0xa: {  	s8 =	sshll.u32 s1, $0x8;
	v2 =	vand.u32 $0x3, v0;
	[sflag:s31] =	ssyncset.done $0x0  }
0xb: {  	v1 =	vor.u32 s8, v0;
	v2 =	vmul.u32 $0xA4, v2;
	s8 =	simm.s32 $0x0;
	s7 =	simm.s32 $0x0;
	[sflag:s31] =	ssyncadd.s32 $0xFFFF5C00  }
.LBB2_1:
0xc: {  	s9 =	sshll.u32 s8, $0x4  }
0xd: {  	v7 =	vimm.f32 $0.0e+00;
	s22 =	simm.s32 $0xB;
	s10 =	simm.s32 $0x0;
	s11 =	simm.s32 $0x1;
	v3 =	vor.u32 s9, v0  }
0xe: {  	s12 =	simm.s32 $0x2;
	s23 =	simm.s32 $0x3;
	s24 =	simm.s32 $0x7;
	v5 =	vadd.s32 s22, v2;
	v6 =	vadd.s32 s10, v2;
	v8 =	vadd.s32 s11, v2  }
0xf: {  	s25 =	simm.s32 $0xA;
	s26 =	simm.s32 $0x9;
	s28 =	simm.s32 $0x5;
	v10 =	vadd.s32 s23, v2;
	v11 =	vadd.s32 s12, v2;
	v15 =	vadd.s32 s24, v2  }
0x10: {  	v16 =	vadd.s32 s25, v2;
	v17 =	vadd.s32 s26, v2;
	v18 =	vadd.s32 s28, v2  }
0x11: {  	v4 =	vshrl.u32 v3, $0x2;
	v9 =	vand.u32 $0x3F8, v6;
	v12 =	vand.u32 $0x3F8, v10  }
0x12: {  	v13 =	vand.u32 $0x5, v8;
	v6 =	vand.u32 $0x4, v6;
	v8 =	vand.u32 $0x3F8, v8  }
0x13: {  	v10 =	vand.u32 $0x7, v10;
	v19 =	vand.u32 $0x3F8, v17;
	v4 =	vmul.u32 $0x290, v4  }
0x14: {  	v17 =	vand.u32 $0x5, v17;
	v20 =	vand.u32 $0x3F8, v5;
	v5 =	vand.u32 $0x7, v5  }
0x15: {  	v9 =	vadd.s32 v4, v9;
	v19 =	vadd.s32 v4, v19;
	v12 =	vadd.s32 v4, v12  }
0x16: {  	v8 =	vadd.s32 v4, v8;
	v17 =	vor.u32 v17, v19;
	v19 =	vadd.s32 v4, v20  }
0x17: {  	v20 =	vand.u32 $0x3F8, v15;
	v15 =	vand.u32 $0x7, v15;
	v6 =	vor.u32 v6, v9  }
0x18: {  	s29 =	simm.s32 $0x4;
	v9 =	vand.u32 $0x3F8, v18;
	v5 =	vor.u32 v5, v19;
	v19 =	vadd.s32 v4, v20  }
0x19: {  	v8 =	vor.u32 v13, v8;
	v15 =	vor.u32 v15, v19;
	v19 =	vadd.s32 s29, v2  }
0x1a: {  	v10 =	vor.u32 v10, v12;
	v20 =	vadd.s32 v4, v9;
	v9 =	vand.u32 $0x3F8, v19  }
0x1b: {  	v12 =	vand.u32 $0x3F8, v16;
	v19 =	vand.u32 $0x4, v19;
	v9 =	vadd.s32 v4, v9;
	v17 =	vld.idx.msk [tilespmem:v17+s6+$0x0], $0xffff  }
0x1c: {  	v13 =	vand.u32 $0x6, v16;
	v12 =	vadd.s32 v4, v12;
	v9 =	vor.u32 v19, v9;
	v6 =	vld.idx.msk [tilespmem:v6+s6+$0x0], $0xffff  }
0x1d: {  	s31 =	simm.s32 $0x8;
	v3 =	vmov s9;
	v14 =	vand.u32 $0x3F8, v11;
	v12 =	vor.u32 v13, v12;
	v5 =	vld.idx.msk [tilespmem:v5+s6+$0x0], $0xffff  }
0x1e: {  	s30 =	simm.s32 $0x6;
	v11 =	vand.u32 $0x6, v11;
	v14 =	vadd.s32 v4, v14;
	v16 =	vadd.s32 s31, v2;
	v63 =	vld.idx.msk [tilespmem:v8+s6+$0x0], $0xffff  }
0x1f: {  	v18 =	vand.u32 $0x5, v18;
	v11 =	vor.u32 v11, v14;
	v19 =	vadd.s32 s30, v2;
	v10 =	vld.idx.msk [tilespmem:v10+s6+$0x0], $0xffff  }
0x20: {  	v21 =	vand.u32 $0x3F8, v16;
	v13 =	vand.u32 $0x6, v19;
	v15 =	vld.idx.msk [tilespmem:v15+s6+$0x0], $0xffff;
	v22 =	vand.u32 $0x7FFFFFFF, v17  }
0x21: {  	v17 =	vand.u32 $0x3F8, v19;
	v19 =	vadd.s32 v4, v21;
	v23 =	vld.idx.msk [tilespmem:v9+s6+$0x0], $0xffff;
	v6 =	vand.u32 $0x7FFFFFFF, v6  }
0x22: {  	v9 =	vand.u32 $0x4, v16;
	v5 =	vand.u32 $0x7FFFFFFF, v5;
	v8 =	vadd.s32 v4, v17;
	v17 =	vld.idx.msk [tilespmem:v12+s6+$0x0], $0xffff  }
0x23: {  	v16 =	vand.u32 $0x7FFFFFFF, v63;
	vm1 =	vgt.u32 v22, $0x7F800000;
	vm0 =	vgt.u32 v5, $0x7F800000  }
0x24: {  	v8 =	vor.u32 v13, v8;
	v5 =	vsel vm0, $0x0, v5;
	vm0 =	vgt.u32 v6, $0x7F800000  }
0x25: {  	v13 =	vor.u32 v9, v19;
	v9 =	vand.u32 $0x7FFFFFFF, v15;
	v6 =	vsel vm0, $0x0, v6  }
0x26: {  	v15 =	vor.u32 v18, v20;
	v14 =	vadd.f32 v6, v7;
	v6 =	vand.u32 $0x7FFFFFFF, v10  }
0x27: {  	vm0 =	vgt.u32 v9, $0x7F800000;
	vm2 =	vgt.u32 v6, $0x7F800000;
	v10 =	vand.u32 $0x7FFFFFFF, v17  }
0x28: {  	v17 =	vld.idx.msk [tilespmem:v11+s6+$0x0], $0xffff;
	v12 =	vsel vm2, $0x0, v6;
	v6 =	vand.u32 $0x7FFFFFFF, v23;
	vm2 =	vgt.u32 v16, $0x7F800000  }
0x29: {  	v11 =	vimm.f32 $0.0e+00;
	vm3 =	vgt.u32 v6, $0x7F800000;
	v19 =	vsel vm2, $0x0, v16  }
0x2a: {  	s9 =	simm.s32 $0x17;
	v16 =	vld.idx.msk [tilespmem:v13+s6+$0x0], $0xffff;
	v13 =	vimm.f32 $0.0e+00;
	v18 =	vsel vm3, $0x0, v6;
	v6 =	vsel vm1, $0x0, v22  }
.LBB2_2:
0x2b: {  	s10 =	sadd.s32 $0xFFFFFFF5, s9  }
0x2c: {  	s12 =	sadd.s32 $0xFFFFFFF6, s9;
	s13 =	sadd.s32 $0xFFFFFFF7, s9;
	v20 =	vadd.s32 s9, v2;
	v7 =	vadd.f32 v19, v7;
	v14 =	vadd.f32 v18, v14;
	s11 =	smov.u32 s9  }
0x2d: {  	s14 =	sadd.s32 $0xFFFFFFFF, s9;
	v17 =	vand.u32 $0x7FFFFFFF, v17;
	v18 =	vadd.s32 s10, v2;
	v19 =	vadd.s32 s12, v2;
	s10 =	sadd.s32 $0xFFFFFFF8, s9;
	s12 =	sadd.s32 $0xFFFFFFFC, s9  }
0x2e: {  	p0 =	sne.s32 s9, $0x53;
	s9 =	sadd.s32 $0xC, s9;
	vm1 =	vgt.u32 v17, $0x7F800000;
	v21 =	vand.u32 $0x3F8, v18;
	v22 =	vadd.s32 s10, v2;
	s10 =	sadd.s32 $0xFFFFFFFB, s11  }
0x2f: {  	v23 =	vadd.s32 s13, v2;
	v17 =	vsel vm1, $0x0, v17;
	v24 =	vand.u32 $0x3F8, v22  }
0x30: {  	v25 =	vand.u32 $0x5, v19;
	v26 =	vand.u32 $0x3F8, v23;
	v21 =	vadd.s32 v4, v21  }
0x31: {  	s13 =	sadd.s32 $0xFFFFFFFA, s11;
	v18 =	vand.u32 $0x4, v18;
	v27 =	vadd.s32 s12, v2;
	v16 =	vand.u32 $0x7FFFFFFF, v16;
	v15 =	vld.idx.msk [tilespmem:v15+s6+$0x0], $0xffff  }
0x32: {  	v28 =	vadd.s32 s14, v2;
	v19 =	vand.u32 $0x3F8, v19;
	v13 =	vadd.f32 v17, v13  }
0x33: {  	v11 =	vadd.f32 v12, v11;
	s12 =	sadd.s32 $0xFFFFFFFE, s11;
	v17 =	vand.u32 $0x7, v22;
	v22 =	vadd.s32 s13, v2  }
0x34: {  	vm1 =	vgt.u32 v10, $0x7F800000;
	v12 =	vadd.s32 v4, v24;
	v24 =	vadd.s32 s12, v2  }
0x35: {  	v10 =	vsel vm1, $0x0, v10;
	v29 =	vand.u32 $0x3F8, v24;
	v24 =	vand.u32 $0x5, v24  }
0x36: {  	v9 =	vsel vm0, $0x0, v9;
	v30 =	vand.u32 $0x3F8, v27;
	s12 =	sadd.s32 $0xFFFFFFFD, s11;
	v29 =	vadd.s32 v4, v29;
	v8 =	vld.idx.msk [tilespmem:v8+s6+$0x0], $0xffff  }
0x37: {  	v30 =	vadd.s32 v4, v30;
	v24 =	vor.u32 v24, v29;
	v15 =	vand.u32 $0x7FFFFFFF, v15  }
0x38: {  	v27 =	vand.u32 $0x7, v27;
	vm0 =	vgt.u32 v16, $0x7F800000;
	v29 =	vand.u32 $0x3F8, v20  }
0x39: {  	v16 =	vsel vm0, $0x0, v16;
	v20 =	vand.u32 $0x7, v20;
	v29 =	vadd.s32 v4, v29  }
0x3a: {  	v18 =	vor.u32 v18, v21;
	v14 =	vadd.f32 v16, v14;
	v20 =	vor.u32 v20, v29  }
0x3b: {  	v9 =	vadd.f32 v9, v11;
	s11 =	sadd.s32 $0xFFFFFFF9, s11;
	v21 =	vor.u32 v27, v30;
	v16 =	vand.u32 $0x3F8, v22  }
0x3c: {  	v11 =	vadd.s32 v4, v26;
	v26 =	vadd.s32 s11, v2;
	v16 =	vadd.s32 v4, v16;
	v24 =	vld.idx.msk [tilespmem:v24+s6+$0x0], $0xffff  }
0x3d: {  	v27 =	vand.u32 $0x3F8, v26;
	v26 =	vand.u32 $0x4, v26;
	v8 =	vand.u32 $0x7FFFFFFF, v8  }
0x3e: {  	v23 =	vand.u32 $0x6, v23;
	v19 =	vadd.s32 v4, v19;
	v27 =	vadd.s32 v4, v27  }
0x3f: {  	v12 =	vor.u32 v17, v12;
	v17 =	vor.u32 v26, v27;
	v26 =	vand.u32 $0x6, v28;
	v20 =	vld.idx.msk [tilespmem:v20+s6+$0x0], $0xffff  }
0x40: {  	v19 =	vor.u32 v25, v19;
	v25 =	vadd.s32 s12, v2;
	v27 =	vand.u32 $0x3F8, v28;
	v18 =	vld.idx.msk [tilespmem:v18+s6+$0x0], $0xffff  }
0x41: {  	v28 =	vadd.s32 s10, v2;
	v27 =	vadd.s32 v4, v27;
	vm0 =	vgt.u32 v8, $0x7F800000  }
0x42: {  	v30 =	vand.u32 $0x3F8, v25;
	v29 =	vand.u32 $0x6, v28;
	v26 =	vor.u32 v26, v27  }
0x43: {  	v22 =	vand.u32 $0x5, v22;
	v27 =	vsel vm0, $0x0, v8;
	v24 =	vand.u32 $0x7FFFFFFF, v24;
	v21 =	vld.idx.msk [tilespmem:v21+s6+$0x0], $0xffff  }
0x44: {  	v8 =	vand.u32 $0x3F8, v28;
	vm1 =	vgt.u32 v24, $0x7F800000;
	v31 =	vld.idx.msk [tilespmem:v17+s6+$0x0], $0xffff;
	v17 =	vadd.s32 v4, v30  }
0x45: {  	vm0 =	vgt.u32 v15, $0x7F800000;
	v8 =	vadd.s32 v4, v8;
	v20 =	vand.u32 $0x7FFFFFFF, v20;
	v12 =	vld.idx.msk [tilespmem:v12+s6+$0x0], $0xffff  }
0x46: {  	v23 =	vor.u32 v23, v11;
	v11 =	vsel vm0, $0x0, v15;
	vm2 =	vgt.u32 v20, $0x7F800000;
	v19 =	vld.idx.msk [tilespmem:v19+s6+$0x0], $0xffff  }
0x47: {  	v15 =	vand.u32 $0x4, v25;
	v7 =	vadd.f32 v11, v7;
	v20 =	vsel vm2, $0x0, v20;
	v25 =	vld.idx.msk [tilespmem:v26+s6+$0x0], $0xffff  }
0x48: {  	v13 =	vadd.f32 v27, v13;
	v8 =	vor.u32 v29, v8;
	v18 =	vand.u32 $0x7FFFFFFF, v18  }
0x49: {  	v11 =	vadd.f32 v5, v9;
	v7 =	vadd.f32 v6, v7;
	vm0 =	vgt.u32 v18, $0x7F800000;
	v5 =	vmovc v20  }
0x4a: {  	v13 =	vadd.f32 v10, v13;
	v6 =	vsel vm0, $0x0, v18;
	v20 =	vor.u32 v15, v17  }
.Ltmp0:
0x4b: {  	v14 =	vadd.f32 v6, v14;
	v9 =	vand.u32 $0x7FFFFFFF, v21;
	v6 =	vand.u32 $0x7FFFFFFF, v12;
	v17 =	vld.idx.msk [tilespmem:v23+s6+$0x0], $0xffff;
	(pc) =	sbr.rel @p0 .LBB2_2-.Ltmp0, $4  }
0x4c: {  	vm0 =	vgt.u32 v9, $0x7F800000;
	v18 =	vand.u32 $0x7FFFFFFF, v19;
	vm2 =	vgt.u32 v6, $0x7F800000  }
0x4d: {  	v12 =	vsel vm2, $0x0, v6;
	v6 =	vand.u32 $0x7FFFFFFF, v31;
	v10 =	vand.u32 $0x7FFFFFFF, v25  }
0x4e: {  	v15 =	vor.u32 v22, v16;
	vm2 =	vgt.u32 v18, $0x7F800000;
	vm3 =	vgt.u32 v6, $0x7F800000  }
0x4f: {  	v19 =	vsel vm2, $0x0, v18;
	v18 =	vsel vm3, $0x0, v6;
	v6 =	vsel vm1, $0x0, v24;
	v16 =	vld.idx.msk [tilespmem:v20+s6+$0x0], $0xffff  }
0x50: {  	_ =	sdelay $0x3  }
0x51: {  	v4 =	vld.idx.msk [tilespmem:v15+s6+$0x0], $0xffff  }
0x52: {  	v8 =	vld.idx.msk [tilespmem:v8+s6+$0x0], $0xffff;
	_ =	sdelay $0x1  }
0x53: {  	v60 =	vand.u32 $0x7FFFFFFF, v17;
	v7 =	vadd.f32 v19, v7;
	v11 =	vadd.f32 v12, v11  }
0x54: {  	v14 =	vadd.f32 v18, v14;
	v9 =	vsel vm0, $0x0, v9;
	vm1 =	vgt.u32 v60, $0x7F800000  }
0x55: {  	vm11 =	vgt.u32 v10, $0x7F800000;
	v15 =	vsel vm1, $0x0, v60;
	v9 =	vadd.f32 v9, v11  }
0x56: {  	v13 =	vadd.f32 v15, v13;
	v4 =	vand.u32 $0x7FFFFFFF, v4;
	v8 =	vand.u32 $0x7FFFFFFF, v8  }
0x57: {  	v16 =	vand.u32 $0x7FFFFFFF, v16;
	vm10 =	vgt.u32 v4, $0x7F800000;
	vm12 =	vgt.u32 v8, $0x7F800000  }
0x58: {  	vm13 =	vgt.u32 v16, $0x7F800000;
	v4 =	vsel vm10, $0x0, v4;
	v8 =	vsel vm12, $0x0, v8  }
0x59: {  	v61 =	vsel vm13, $0x0, v16;
	v4 =	vadd.f32 v4, v7;
	v8 =	vadd.f32 v8, v13  }
0x5a: {  	v10 =	vsel vm11, $0x0, v10;
	v5 =	vadd.f32 v5, v9;
	v7 =	vadd.f32 v61, v14  }
0x5b: {  	v4 =	vadd.f32 v6, v4;
	v62 =	vadd.f32 v10, v8;
	_ =	sdelay $0x1  }
0x5c: {  	v4 =	vadd.f32 v4, v7;
	v5 =	vadd.f32 v5, v62;
	_ =	sdelay $0x1  }
0x5d: {  	v4 =	vadd.f32 v5, v4;
	_ =	sdelay $0x1  }
0x5e: {  	vm14 =	vlt.f32 v4, $0.0e+00;
	vm15 =	vgt.f32 v4, $0.0e+00  }
0x5f: {  	vm0 =	vmor vm15, vm14  }
0x60: {  	v63 =	vmpcnt.ones.xlane vm0;
	_ =	sdelay $0x1  }
0x61: {  	(v2sf) =	vpush v63, $0x0;
	_ =	sdelay $0x9  }
0x62: {  	s8 =	sadd.s32 $0x1, s8  }
0x63: {  	p0 =	sne.s32 s8, $0x10  }
.Ltmp1:
0x64: {  	_ = 	snop;
	(pc) =	sbr.rel @p0 .LBB2_1-.Ltmp1, $3  }
0x65: {  	_ =	sdelay $0x1  }
0x66: {  	v3 =	vor.u32 v1, v3;
	s9 =	spop (v2sf)  }
0x67: {  	[tilespmem:s7+$0xA400] =	vst.msk vm0, v3;
	s7 =	sadd.s32 s7, s9  }
0x68: {  	s6 =	sshll.u32 s1, $0x4;
	v0 =	vmov s7  }
0x69: {  	s8 =	simm.s32 $0xA510;
	s31 =	simm.s32 $0x3;
	s6 =	sadd.s32 s6, s5;
	[tilespmem:$0xA510] =	vst v0  }
0x6a: {  	[spmem:s6] =	stream.linear.scatter [tilespmem:s8], [sflag:$0x3], $0x10, $0x38;
	[tilespmem:$0xE5A0] =	vst v63  }
0x6b: {  	p0 =	sgt.s32 s7, $0xFF;
	_ =	swait.ge [sflag:s31], $0x10  }
0x6c: {  	s7 =	sshll.u32 @!p0 s1, $0x8;
	[sflag:s31] =	ssyncset.done $0x0  }
0x6d: {  	s7 =	sadd.s32 @!p0 s7, s4;
	s8 =	simm.s32 @!p0 $0xA400;
	[sflag:s31] =	ssyncadd.s32 $0xFFFFFFF0  }
0x6e: {  	[spmem:s7] =	stream.linear.scatter @!p0 [tilespmem:s8], [sflag:$0x3], $0x100, $0x38;
	[tilespmem:$0xE5A0] =	vst v63  }
0x6f: {  	s7 =	simm.s32 @!p0 $0x3  }
0x70: {  	_ =	swait.ge @!p0 [sflag:s7], $0x100  }
0x71: {  	v1 =	vlaneseq.u32;
	[sflag:s7] =	ssyncset.done @!p0 $0x0  }
0x72: {  	v0 =	vmul.u32 $0x10, v1;
	[sflag:s7] =	ssyncadd.s32 @!p0 $0xFFFFFF00  }
0x73: {  	s9 =	simm.s32 $0xA520;
	[bflag:$0x0] =	sbarrier.arrive $0xFFFF  }
0x74: {  	[tilespmem:s9], [sflag:$0x3] =	stream.linear.gather [spmem:s5], $0x100, $0x38;
	[tilespmem:$0xE5A0] =	vst v63  }
0x75: {  	_ =	swait.ge [sflag:s31], $0x100  }
0x76: {  	[sflag:s31] =	ssyncset.done $0x0  }
0x77: {  	[sflag:s31] =	ssyncadd.s32 $0xFFFFFF00  }
0x78: {  	v2 =	vld.idx.msk [tilespmem:v0+s9+$0x0], $0xffff;
	_ =	sdelay $0x4  }
0x79: {  	(xrf0) =	vadd.scan.msk.s32 $0xffff, v2;
	_ =	sdelay $0x5  }
0x7a: {  	v0, _, _ =	vpop (xrf0)  }
0x7b: {  	(v2sf) =	vpush v0, $0xF;
	_ =	sdelay $0xe  }
0x7c: {  	s5 =	spop (v2sf)  }
0x7d: {  	s10 =	sshll.u32 s1, $0x3;
	p1 =	sgt.s32 s5, $0x80  }
0x7e: {  	v3 =	vadd.s32 s10, v1;
	p0 =	sgt.s32 s5, $0xFFF;
	s5 =	simm.s32 @!p1 $0x80  }
0x7f: {  	v3 =	vcvt.s32.f32 v3;
	s11 =	scvt.s32.f32 s5;
	_ =	sdelay $0x1  }
0x80: {  	v3 =	vadd.f32 $5.000000000e-01, v3;
	s12 =	smul.f32 $7.812500000e-03, s11;
	_ =	sdelay $0x1  }
0x81: {  	v3 =	vmul.f32 s12, v3;
	_ =	sdelay $0x1  }
0x82: {  	v3 =	vadd.f32 $-5.000000000e-01, v3  }
0x83: {  	s6 =	sadd.f32 $-1.000000000e+00, s11  }
0x84: {  	v3 =	vmax.f32 v3, $0.0e+00  }
0x85: {  	v4 =	vmin.f32 v3, s6  }
0x86: {  	v3 =	vtrunc.f32 v4  }
0x87: {  	v3 =	vcvt.f32.s32 v3  }
0x88: {  	v5 =	vimm.s32 $0x7  }
0x89: {  	v7 =	vperm.xlane v0, v5;
	s5 =	sadd.s32 $0xFFFFFFFF, s5;
	v6 =	vadd.s32 $0x1, v3  }
0x8a: {  	vm0 =	vlt.s32 v6, s5  }
0x8b: {  	vm12 =	vgt.s32 v7, v3;
	v5 =	vnsel vm0, s5, v6;
	v6 =	vimm.s32 $0x8  }
0x8c: {  	v8 =	vsel vm12, $0x0, v6;
	vm13 =	vgt.s32 v7, v5  }
0x8d: {  	v7 =	vor.u32 $0x3, v8;
	v6 =	vsel vm13, $0x0, v6  }
0x8e: {  	v7 =	vperm.xlane v0, v7;
	v9 =	vor.u32 $0x3, v6  }
0x8f: {  	v9 =	vperm.xlane v0, v9  }
0x90: {  	vm14 =	vgt.s32 v7, v3;
	v7 =	vimm.s32 $0x4  }
0x91: {  	v10 =	vsel vm14, $0x0, v7;
	vm15 =	vgt.s32 v9, v5  }
0x92: {  	v9 =	vor.u32 v8, v10;
	v7 =	vsel vm15, $0x0, v7  }
0x93: {  	v10 =	vor.u32 $0x1, v9;
	v7 =	vor.u32 v6, v7  }
0x94: {  	v10 =	vperm.xlane v0, v10;
	v11 =	vor.u32 $0x1, v7  }
0x95: {  	v11 =	vperm.xlane v0, v11  }
0x96: {  	vm4 =	vgt.s32 v10, v3;
	v10 =	vimm.s32 $0x2  }
0x97: {  	v12 =	vsel vm4, $0x0, v10;
	vm5 =	vgt.s32 v11, v5  }
0x98: {  	v9 =	vor.u32 v12, v9;
	v10 =	vsel vm5, $0x0, v10  }
0x99: {  	v11 =	vperm.xlane v0, v9;
	v7 =	vor.u32 v10, v7  }
0x9a: {  	v10 =	vperm.xlane v0, v7  }
0x9b: {  	vm6 =	vle.s32 v11, v3;
	v11 =	vimm.s32 $0x0  }
0x9c: {  	s5 =	simm.s32 @!p0 $0xA620;
	v12 =	vsel vm6, $0x1, v11;
	vm7 =	vle.s32 v10, v5  }
0x9d: {  	[tilespmem:s5], [sflag:$0x3] =	stream.linear.gather @!p0 [spmem:s4], $0x1000, $0x38;
	v9 =	vor.u32 v12, v9;
	v10 =	vsel vm7, $0x1, v11;
	[tilespmem:$0xE5A0] =	vst v63  }
0x9e: {  	s4 =	simm.s32 @!p0 $0x3;
	v7 =	vor.u32 v10, v7;
	v10 =	vand.u32 $0x7, v9  }
0x9f: {  	_ =	swait.ge @!p0 [sflag:s4], $0x1000;
	v8 =	vor.u32 v8, v10;
	v10 =	vand.u32 $0x7, v7  }
0xa0: {  	[sflag:s4] =	ssyncset.done @!p0 $0x0;
	v6 =	vor.u32 v6, v10  }
0xa1: {  	[sflag:s4] =	ssyncadd.s32 @!p0 $0xFFFFF000  }
0xa2: {  	[tilespmem:$0xB630] =	vst v2;
	v10 =	vsub.s32 v0, v2  }
0xa3: {  	s13 =	simm.s32 $0xB620;
	[tilespmem:$0xB620] =	vst v10  }
0xa4: {  	v2 =	vld.idx.msk [tilespmem:v8+s13+$0x0], $0xffff  }
0xa5: {  	v10 =	vld.idx.msk [tilespmem:v6+s13+$0x0], $0xffff;
	_ =	sdelay $0x3  }
0xa6: {  	v2 =	vsub.s32 v3, v2  }
0xa7: {  	vm8 =	vgt.s32 v2, $0x0;
	v10 =	vsub.s32 v5, v10  }
0xa8: {  	v2 =	vnsel vm8, $0x0, v2;
	vm9 =	vgt.s32 v10, $0x0  }
0xa9: {  	v9 =	vshll.u32 v9, $0x8;
	v2 =	vmin.u32 v2, $0xFF;
	v10 =	vnsel vm9, $0x0, v10  }
0xaa: {  	v7 =	vshll.u32 v7, $0x8;
	v10 =	vmin.u32 v10, $0xFF;
	v2 =	vor.u32 v9, v2  }
0xab: {  	v7 =	vor.u32 v7, v10;
	_ =	sdelay $0x1  }
0xac: {  	s14 =	simm.s32 $0xB630  }
0xad: {  	s15 =	simm.s32 $0xA620;
	v8 =	vld.idx.msk [tilespmem:v8+s14+$0x0], $0xffff  }
0xae: {  	v9 =	vld.idx.msk [tilespmem:v2+s15+$0x0], $0xffff  }
0xaf: {  	v10 =	vld.idx.msk [tilespmem:v7+s15+$0x0], $0xffff  }
0xb0: {  	v6 =	vld.idx.msk [tilespmem:v6+s14+$0x0], $0xffff;
	_ =	sdelay $0x2  }
0xb1: {  	vm10 =	vgt.s32 v9, $0x0  }
0xb2: {  	vm1 =	veq.s32 v8, $0x100;
	v8 =	vnsel vm10, $0x0, v9;
	vm11 =	vgt.s32 v10, $0x0  }
0xb3: {  	vm2 =	veq.s32 v6, $0x100;
	v2 =	vsel vm1, v2, v8;
	v6 =	vnsel vm11, $0x0, v10  }
0xb4: {  	v2 =	vmin.u32 v2, $0xFFF;
	v6 =	vsel vm2, v7, v6  }
0xb5: {  	s16 =	simm.s32 $0xB640;
	v6 =	vmin.u32 v6, $0xFFF;
	v7 =	vshrl.u32 v2, $0x2  }
0xb6: {  	s17 =	simm.s32 $0xB648;
	[tilespmem:v1+s16+$0x0] =	vst.idx.msk $0xff, v7;
	v7 =	vshrl.u32 v6, $0x2  }
0xb7: {  	s18 =	simm.s32 $0x8;
	s19 =	simm.s32 $0xB650;
	[tilespmem:v1+s17+$0x0] =	vst.idx.msk $0xff, v7  }
0xb8: {  	[tilespmem:s19], [sflag:$0x1] =	stream.indirect.gather [hbm4b:s3+s18], $0x290, s16, s18, $0xb8;
	[tilespmem:$0xE5A0] =	vst v63  }
0xb9: {  	s20 =	simm.s32 $0xCAD0;
	s21 =	simm.s32 $0x1  }
0xba: {  	[tilespmem:s20], [sflag:$0x2] =	stream.indirect.gather [hbm4b:s3+s18], $0x290, s17, s18, $0xb8;
	[tilespmem:$0xE5A0] =	vst v63  }
0xbb: {  	_ =	swait.ge [sflag:s21], $0x1480  }
0xbc: {  	v1 =	vand.u32 $0x3, v2;
	[sflag:s21] =	ssyncset.done $0x0  }
0xbd: {  	s12 =	simm.s32 $0x2;
	v1 =	vmul.u32 $0xA4, v1;
	[sflag:s21] =	ssyncadd.s32 $0xFFFFEB80  }
0xbe: {  	_ =	swait.ge [sflag:s12], $0x1480  }
0xbf: {  	(v2sf) =	vpush v1, $0x0  }
0xc0: {  	(v2sf) =	vpush v1, $0x1  }
0xc1: {  	(v2sf) =	vpush v1, $0x2  }
0xc2: {  	(v2sf) =	vpush v1, $0x3  }
0xc3: {  	(v2sf) =	vpush v1, $0x4  }
0xc4: {  	v2 =	vand.u32 $0x3, v6;
	(v2sf) =	vpush v1, $0x5  }
0xc5: {  	v14 =	vmul.u32 $0xA4, v2;
	(v2sf) =	vpush v1, $0x6  }
0xc6: {  	(v2sf) =	vpush v1, $0x7  }
0xc7: {  	(v2sf) =	vpush v14, $0x0;
	_ =	sdelay $0x6  }
0xc8: {  	s10 =	spop (v2sf)  }
0xc9: {  	s9 =	spop (v2sf)  }
0xca: {  	s8 =	spop (v2sf)  }
0xcb: {  	s7 =	spop (v2sf)  }
0xcc: {  	(v2sf) =	vpush v14, $0x1;
	s6 =	spop (v2sf)  }
0xcd: {  	s5 =	spop (v2sf)  }
0xce: {  	s4 =	spop (v2sf)  }
0xcf: {  	s3 =	spop (v2sf)  }
0xd0: {  	s13 =	sadd.s32 $0xB650, s10;
	s11 =	spop (v2sf)  }
0xd1: {  	v1 =	vmov s13;
	s14 =	sadd.s32 $0xCAD0, s11  }
0xd2: {  	v2 =	vmov s14;
	_ =	sdelay $0x1  }
0xd3: {  	[sflag:s12] =	ssyncset.done $0x0  }
0xd4: {  	v6 =	vcvt.s32.f32 v3;
	[sflag:s12] =	ssyncadd.s32 $0xFFFFEB80;
	s13 =	simm.s32 $0x0  }
0xd5: {  	v7 =	vld.idx.msk [tilespmem:v1+s13+$0x0 ss:$0x1], $0xffff  }
0xd6: {  	v0 =	vbroadcast v0, $0xF;
	v4 =	vsub.f32 v4, v6;
	v6 =	vld.idx.msk [tilespmem:v2+s13+$0x0 ss:$0x1], $0xffff;
	_ =	sdelay $0x1  }
0xd7: {  	vm13 =	vlt.s32 v5, v0  }
0xd8: {  	v8 =	vsub.f32 $1.000000000e+00, v4;
	v21 =	vnsel vm13, $0x0, v4;
	(v2sf) =	vpush v14, $0x2  }
0xd9: {  	vm12 =	vgt.s32 v0, v3;
	v3 =	vbroadcast v21, $0x0;
	s22 =	sshll.u32 s9, $0x2;
	s12 =	spop (v2sf)  }
0xda: {  	v20 =	vnsel vm12, $0x0, v8;
	s14 =	sadd.s32 $0xA40, s22;
	v4 =	vand.u32 $0x7FFFFFFF, v7;
	s15 =	sshll.u32 s12, $0x2;
	v5 =	vand.u32 $0x7FFFFFFF, v6  }
0xdb: {  	v0 =	vbroadcast v20, $0x0;
	s14 =	sshrl.u32 s14, $0x2;
	vm14 =	vgt.u32 v4, $0x7F800000;
	s15 =	sadd.s32 $0xA40, s15;
	vm15 =	vgt.u32 v5, $0x7F800000  }
0xdc: {  	s14 =	sadd.s32 $0xB650, s14;
	v4 =	vsel vm14, $0x0, v7;
	s15 =	sshrl.u32 s15, $0x2;
	v5 =	vsel vm15, $0x0, v6  }
0xdd: {  	v10 =	vmov s14;
	v4 =	vmul.f32 v4, v0;
	s15 =	sadd.s32 $0xCAD0, s15;
	v5 =	vmul.f32 v5, v3  }
0xde: {  	v11 =	vmov s15  }
0xdf: {  	v4 =	vadd.f32 v5, v4;
	_ =	sdelay $0x1  }
0xe0: {  	[tilespmem:s13+$0xDF50] =	vst v4  }
0xe1: {  	v6 =	vld.idx.msk [tilespmem:v10+s13+$0x0 ss:$0x1], $0xffff  }
0xe2: {  	v7 =	vld.idx.msk [tilespmem:v11+s13+$0x0 ss:$0x1], $0xffff;
	_ =	sdelay $0x2  }
0xe3: {  	(v2sf) =	vpush v14, $0x3  }
0xe4: {  	s23 =	sshll.u32 s8, $0x2;
	s14 =	spop (v2sf)  }
0xe5: {  	s16 =	sshll.u32 s14, $0x2;
	s15 =	sadd.s32 $0x1480, s23;
	v5 =	vbroadcast v21, $0x1;
	v8 =	vand.u32 $0x7FFFFFFF, v6;
	v9 =	vand.u32 $0x7FFFFFFF, v7  }
0xe6: {  	s16 =	sadd.s32 $0x1480, s16;
	s15 =	sshrl.u32 s15, $0x2;
	v4 =	vbroadcast v20, $0x1;
	vm4 =	vgt.u32 v8, $0x7F800000;
	vm5 =	vgt.u32 v9, $0x7F800000  }
0xe7: {  	s16 =	sshrl.u32 s16, $0x2;
	s15 =	sadd.s32 $0xB650, s15;
	v6 =	vsel vm4, $0x0, v6;
	v7 =	vsel vm5, $0x0, v7  }
0xe8: {  	s16 =	sadd.s32 $0xCAD0, s16;
	v17 =	vmov s15;
	v6 =	vmul.f32 v6, v4;
	v7 =	vmul.f32 v7, v5  }
0xe9: {  	v19 =	vmov s16  }
0xea: {  	v6 =	vadd.f32 v7, v6;
	_ =	sdelay $0x1  }
0xeb: {  	[tilespmem:s13+$0xDFF8] =	vst v6  }
0xec: {  	v8 =	vld.idx.msk [tilespmem:v17+s13+$0x0 ss:$0x1], $0xffff  }
0xed: {  	v9 =	vld.idx.msk [tilespmem:v19+s13+$0x0 ss:$0x1], $0xffff;
	_ =	sdelay $0x2  }
0xee: {  	(v2sf) =	vpush v14, $0x4  }
0xef: {  	s24 =	sshll.u32 s7, $0x2;
	s15 =	spop (v2sf)  }
0xf0: {  	s16 =	sadd.s32 $0x1EC0, s24;
	s17 =	sshll.u32 s15, $0x2;
	v7 =	vbroadcast v21, $0x2;
	v12 =	vand.u32 $0x7FFFFFFF, v8;
	v13 =	vand.u32 $0x7FFFFFFF, v9  }
0xf1: {  	s16 =	sshrl.u32 s16, $0x2;
	s17 =	sadd.s32 $0x1EC0, s17;
	v6 =	vbroadcast v20, $0x2;
	vm6 =	vgt.u32 v12, $0x7F800000;
	vm7 =	vgt.u32 v13, $0x7F800000  }
0xf2: {  	s16 =	sadd.s32 $0xB650, s16;
	s17 =	sshrl.u32 s17, $0x2;
	v8 =	vsel vm6, $0x0, v8;
	v9 =	vsel vm7, $0x0, v9  }
0xf3: {  	v22 =	vmov s16;
	s17 =	sadd.s32 $0xCAD0, s17;
	v8 =	vmul.f32 v8, v6;
	v9 =	vmul.f32 v9, v7  }
0xf4: {  	v23 =	vmov s17  }
0xf5: {  	v8 =	vadd.f32 v9, v8;
	_ =	sdelay $0x1  }
0xf6: {  	[tilespmem:s13+$0xE0A0] =	vst v8  }
0xf7: {  	v12 =	vld.idx.msk [tilespmem:v22+s13+$0x0 ss:$0x1], $0xffff  }
0xf8: {  	v13 =	vld.idx.msk [tilespmem:v23+s13+$0x0 ss:$0x1], $0xffff;
	_ =	sdelay $0x2  }
0xf9: {  	(v2sf) =	vpush v14, $0x5  }
0xfa: {  	s25 =	sshll.u32 s6, $0x2;
	s16 =	spop (v2sf)  }
0xfb: {  	s18 =	sshll.u32 s16, $0x2;
	s17 =	sadd.s32 $0x2900, s25;
	v9 =	vbroadcast v21, $0x3;
	v15 =	vand.u32 $0x7FFFFFFF, v12;
	v16 =	vand.u32 $0x7FFFFFFF, v13  }
0xfc: {  	s18 =	sadd.s32 $0x2900, s18;
	s17 =	sshrl.u32 s17, $0x2;
	v8 =	vbroadcast v20, $0x3;
	vm8 =	vgt.u32 v15, $0x7F800000;
	vm9 =	vgt.u32 v16, $0x7F800000  }
0xfd: {  	s18 =	sshrl.u32 s18, $0x2;
	s17 =	sadd.s32 $0xB650, s17;
	v12 =	vsel vm8, $0x0, v12;
	v13 =	vsel vm9, $0x0, v13  }
0xfe: {  	s18 =	sadd.s32 $0xCAD0, s18;
	v24 =	vmov s17;
	v12 =	vmul.f32 v12, v8;
	v13 =	vmul.f32 v13, v9  }
0xff: {  	v25 =	vmov s18  }
0x100: {  	v12 =	vadd.f32 v13, v12;
	_ =	sdelay $0x1  }
0x101: {  	[tilespmem:s13+$0xE148] =	vst v12  }
0x102: {  	v15 =	vld.idx.msk [tilespmem:v24+s13+$0x0 ss:$0x1], $0xffff  }
0x103: {  	v16 =	vld.idx.msk [tilespmem:v25+s13+$0x0 ss:$0x1], $0xffff;
	_ =	sdelay $0x2  }
0x104: {  	(v2sf) =	vpush v14, $0x6  }
0x105: {  	s26 =	sshll.u32 s5, $0x2;
	s17 =	spop (v2sf)  }
0x106: {  	s18 =	sadd.s32 $0x3340, s26;
	s19 =	sshll.u32 s17, $0x2;
	v13 =	vbroadcast v21, $0x4;
	v18 =	vand.u32 $0x7FFFFFFF, v15;
	v26 =	vand.u32 $0x7FFFFFFF, v16  }
0x107: {  	s18 =	sshrl.u32 s18, $0x2;
	s19 =	sadd.s32 $0x3340, s19;
	v12 =	vbroadcast v20, $0x4;
	vm10 =	vgt.u32 v18, $0x7F800000;
	vm11 =	vgt.u32 v26, $0x7F800000  }
0x108: {  	s18 =	sadd.s32 $0xB650, s18;
	s19 =	sshrl.u32 s19, $0x2;
	v15 =	vsel vm10, $0x0, v15;
	v16 =	vsel vm11, $0x0, v16  }
0x109: {  	s19 =	sadd.s32 $0xCAD0, s19;
	v26 =	vmov s18;
	v15 =	vmul.f32 v15, v12;
	v16 =	vmul.f32 v16, v13  }
0x10a: {  	v27 =	vmov s19  }
0x10b: {  	v15 =	vadd.f32 v16, v15;
	_ =	sdelay $0x1  }
0x10c: {  	[tilespmem:s13+$0xE1F0] =	vst v15  }
0x10d: {  	v16 =	vld.idx.msk [tilespmem:v26+s13+$0x0 ss:$0x1], $0xffff  }
0x10e: {  	v18 =	vld.idx.msk [tilespmem:v27+s13+$0x0 ss:$0x1], $0xffff;
	_ =	sdelay $0x2  }
0x10f: {  	(v2sf) =	vpush v14, $0x7  }
0x110: {  	s28 =	sshll.u32 s4, $0x2;
	s18 =	spop (v2sf)  }
0x111: {  	v14 =	vbroadcast v20, $0x5;
	s19 =	sadd.s32 $0x3D80, s28;
	s20 =	sshll.u32 s18, $0x2;
	v28 =	vand.u32 $0x7FFFFFFF, v16;
	v29 =	vand.u32 $0x7FFFFFFF, v18  }
0x112: {  	s19 =	sshrl.u32 s19, $0x2;
	s20 =	sadd.s32 $0x3D80, s20;
	v15 =	vbroadcast v21, $0x5;
	vm12 =	vgt.u32 v28, $0x7F800000;
	vm13 =	vgt.u32 v29, $0x7F800000  }
0x113: {  	s19 =	sadd.s32 $0xB650, s19;
	s20 =	sshrl.u32 s20, $0x2;
	v16 =	vsel vm12, $0x0, v16;
	v18 =	vsel vm13, $0x0, v18  }
0x114: {  	s20 =	sadd.s32 $0xCAD0, s20;
	v28 =	vmov s19;
	v16 =	vmul.f32 v16, v14;
	v18 =	vmul.f32 v18, v15  }
0x115: {  	v29 =	vmov s20  }
0x116: {  	v16 =	vadd.f32 v18, v16;
	_ =	sdelay $0x1  }
0x117: {  	[tilespmem:s13+$0xE298] =	vst v16  }
0x118: {  	v30 =	vld.idx.msk [tilespmem:v28+s13+$0x0 ss:$0x1], $0xffff  }
0x119: {  	v31 =	vld.idx.msk [tilespmem:v29+s13+$0x0 ss:$0x1], $0xffff;
	_ =	sdelay $0x3  }
0x11a: {  	s29 =	sshll.u32 s3, $0x2;
	s19 =	spop (v2sf)  }
0x11b: {  	s20 =	sadd.s32 $0x47C0, s29;
	s21 =	sshll.u32 s19, $0x2;
	v18 =	vbroadcast v21, $0x6;
	v32 =	vand.u32 $0x7FFFFFFF, v30;
	v33 =	vand.u32 $0x7FFFFFFF, v31  }
0x11c: {  	s20 =	sshrl.u32 s20, $0x2;
	s21 =	sadd.s32 $0x47C0, s21;
	v16 =	vbroadcast v20, $0x6;
	vm14 =	vgt.u32 v32, $0x7F800000;
	vm15 =	vgt.u32 v33, $0x7F800000  }
0x11d: {  	s20 =	sadd.s32 $0xB650, s20;
	s21 =	sshrl.u32 s21, $0x2;
	v32 =	vsel vm14, $0x0, v30;
	v31 =	vsel vm15, $0x0, v31  }
0x11e: {  	s30 =	sadd.s32 $0xCAD0, s21;
	v30 =	vmov s20;
	v32 =	vmul.f32 v32, v16;
	v63 =	vmul.f32 v31, v18  }
0x11f: {  	v31 =	vmov s30  }
0x120: {  	v32 =	vadd.f32 v63, v32;
	_ =	sdelay $0x1  }
0x121: {  	s31 =	smul.u32 $0xA8, s1;
	[tilespmem:s13+$0xE340] =	vst v32  }
0x122: {  	v32 =	vld.idx.msk [tilespmem:v30+s13+$0x0 ss:$0x1], $0xffff  }
0x123: {  	s2 =	sadd.s32 s2, s31;
	v21 =	vbroadcast v21, $0x7;
	v20 =	vbroadcast v20, $0x7;
	s20 =	simm.s32 $0x40;
	v33 =	vld.idx.msk [tilespmem:v31+s13+$0x0 ss:$0x1], $0xffff  }
.LBB2_5:
0x124: {  	_ =	sdelay $0x2  }
0x125: {  	p0 =	sne.s32 s20, $0x240;
	s21 =	smov.u32 s20;
	s20 =	sadd.s32 $0x40, s20;
	v34 =	vand.u32 $0x7FFFFFFF, v32  }
0x126: {  	v35 =	vand.u32 $0x7FFFFFFF, v33;
	vm0 =	vgt.u32 v34, $0x7F800000  }
0x127: {  	v32 =	vsel vm0, $0x0, v32;
	vm0 =	vgt.u32 v35, $0x7F800000  }
0x128: {  	v33 =	vsel vm0, $0x0, v33;
	v32 =	vmul.f32 v32, v20  }
0x129: {  	v33 =	vmul.f32 v33, v21;
	_ =	sdelay $0x1  }
0x12a: {  	v32 =	vadd.f32 v33, v32;
	_ =	sdelay $0x1  }
0x12b: {  	[tilespmem:s13+$0xE3E8] =	vst v32;
	s13 =	sshra.s32 s21, $0x2  }
0x12c: {  	v32 =	vld.idx.msk [tilespmem:v1+s13+$0x0 ss:$0x1], $0xffff  }
0x12d: {  	v33 =	vld.idx.msk [tilespmem:v2+s13+$0x0 ss:$0x1], $0xffff;
	_ =	sdelay $0x4  }
0x12e: {  	v34 =	vand.u32 $0x7FFFFFFF, v32  }
0x12f: {  	v35 =	vand.u32 $0x7FFFFFFF, v33;
	vm0 =	vgt.u32 v34, $0x7F800000  }
0x130: {  	v32 =	vsel vm0, $0x0, v32;
	vm0 =	vgt.u32 v35, $0x7F800000  }
0x131: {  	v33 =	vsel vm0, $0x0, v33;
	v32 =	vmul.f32 v32, v0  }
0x132: {  	v33 =	vmul.f32 v33, v3;
	_ =	sdelay $0x1  }
0x133: {  	v32 =	vadd.f32 v33, v32;
	_ =	sdelay $0x1  }
0x134: {  	[tilespmem:s13+$0xDF50] =	vst v32  }
0x135: {  	v32 =	vld.idx.msk [tilespmem:v10+s13+$0x0 ss:$0x1], $0xffff  }
0x136: {  	v33 =	vld.idx.msk [tilespmem:v11+s13+$0x0 ss:$0x1], $0xffff;
	_ =	sdelay $0x4  }
0x137: {  	v34 =	vand.u32 $0x7FFFFFFF, v32  }
0x138: {  	v35 =	vand.u32 $0x7FFFFFFF, v33;
	vm0 =	vgt.u32 v34, $0x7F800000  }
0x139: {  	v32 =	vsel vm0, $0x0, v32;
	vm0 =	vgt.u32 v35, $0x7F800000  }
0x13a: {  	v33 =	vsel vm0, $0x0, v33;
	v32 =	vmul.f32 v32, v4  }
0x13b: {  	v33 =	vmul.f32 v33, v5;
	_ =	sdelay $0x1  }
0x13c: {  	v32 =	vadd.f32 v33, v32;
	_ =	sdelay $0x1  }
0x13d: {  	[tilespmem:s13+$0xDFF8] =	vst v32  }
0x13e: {  	v32 =	vld.idx.msk [tilespmem:v17+s13+$0x0 ss:$0x1], $0xffff  }
0x13f: {  	v33 =	vld.idx.msk [tilespmem:v19+s13+$0x0 ss:$0x1], $0xffff;
	_ =	sdelay $0x4  }
0x140: {  	v34 =	vand.u32 $0x7FFFFFFF, v32  }
0x141: {  	v35 =	vand.u32 $0x7FFFFFFF, v33;
	vm0 =	vgt.u32 v34, $0x7F800000  }
0x142: {  	v32 =	vsel vm0, $0x0, v32;
	vm0 =	vgt.u32 v35, $0x7F800000  }
0x143: {  	v33 =	vsel vm0, $0x0, v33;
	v32 =	vmul.f32 v32, v6  }
0x144: {  	v33 =	vmul.f32 v33, v7;
	_ =	sdelay $0x1  }
0x145: {  	v32 =	vadd.f32 v33, v32;
	_ =	sdelay $0x1  }
0x146: {  	[tilespmem:s13+$0xE0A0] =	vst v32  }
0x147: {  	v32 =	vld.idx.msk [tilespmem:v22+s13+$0x0 ss:$0x1], $0xffff  }
0x148: {  	v33 =	vld.idx.msk [tilespmem:v23+s13+$0x0 ss:$0x1], $0xffff;
	_ =	sdelay $0x4  }
0x149: {  	v34 =	vand.u32 $0x7FFFFFFF, v32  }
0x14a: {  	v35 =	vand.u32 $0x7FFFFFFF, v33;
	vm0 =	vgt.u32 v34, $0x7F800000  }
0x14b: {  	v32 =	vsel vm0, $0x0, v32;
	vm0 =	vgt.u32 v35, $0x7F800000  }
0x14c: {  	v33 =	vsel vm0, $0x0, v33;
	v32 =	vmul.f32 v32, v8  }
0x14d: {  	v33 =	vmul.f32 v33, v9;
	_ =	sdelay $0x1  }
0x14e: {  	v32 =	vadd.f32 v33, v32;
	_ =	sdelay $0x1  }
0x14f: {  	[tilespmem:s13+$0xE148] =	vst v32  }
0x150: {  	v32 =	vld.idx.msk [tilespmem:v24+s13+$0x0 ss:$0x1], $0xffff  }
0x151: {  	v33 =	vld.idx.msk [tilespmem:v25+s13+$0x0 ss:$0x1], $0xffff;
	_ =	sdelay $0x4  }
0x152: {  	v34 =	vand.u32 $0x7FFFFFFF, v32  }
0x153: {  	v35 =	vand.u32 $0x7FFFFFFF, v33;
	vm0 =	vgt.u32 v34, $0x7F800000  }
0x154: {  	v32 =	vsel vm0, $0x0, v32;
	vm0 =	vgt.u32 v35, $0x7F800000  }
0x155: {  	v33 =	vsel vm0, $0x0, v33;
	v32 =	vmul.f32 v32, v12  }
0x156: {  	v33 =	vmul.f32 v33, v13;
	_ =	sdelay $0x1  }
0x157: {  	v32 =	vadd.f32 v33, v32;
	_ =	sdelay $0x1  }
0x158: {  	[tilespmem:s13+$0xE1F0] =	vst v32  }
0x159: {  	v32 =	vld.idx.msk [tilespmem:v26+s13+$0x0 ss:$0x1], $0xffff  }
0x15a: {  	v33 =	vld.idx.msk [tilespmem:v27+s13+$0x0 ss:$0x1], $0xffff;
	_ =	sdelay $0x4  }
0x15b: {  	v34 =	vand.u32 $0x7FFFFFFF, v32  }
0x15c: {  	v35 =	vand.u32 $0x7FFFFFFF, v33;
	vm0 =	vgt.u32 v34, $0x7F800000  }
0x15d: {  	v32 =	vsel vm0, $0x0, v32;
	vm0 =	vgt.u32 v35, $0x7F800000  }
0x15e: {  	v33 =	vsel vm0, $0x0, v33;
	v32 =	vmul.f32 v32, v14  }
0x15f: {  	v33 =	vmul.f32 v33, v15;
	_ =	sdelay $0x1  }
0x160: {  	v32 =	vadd.f32 v33, v32;
	_ =	sdelay $0x1  }
0x161: {  	[tilespmem:s13+$0xE298] =	vst v32  }
0x162: {  	v32 =	vld.idx.msk [tilespmem:v28+s13+$0x0 ss:$0x1], $0xffff  }
0x163: {  	v33 =	vld.idx.msk [tilespmem:v29+s13+$0x0 ss:$0x1], $0xffff;
	_ =	sdelay $0x4  }
0x164: {  	v34 =	vand.u32 $0x7FFFFFFF, v32  }
0x165: {  	v35 =	vand.u32 $0x7FFFFFFF, v33;
	vm0 =	vgt.u32 v34, $0x7F800000  }
0x166: {  	v32 =	vsel vm0, $0x0, v32;
	vm0 =	vgt.u32 v35, $0x7F800000  }
0x167: {  	v33 =	vsel vm0, $0x0, v33;
	v32 =	vmul.f32 v32, v16  }
0x168: {  	v33 =	vmul.f32 v33, v18;
	_ =	sdelay $0x1  }
.Ltmp2:
0x169: {  	v32 =	vadd.f32 v33, v32;
	(pc) =	sbr.rel @p0 .LBB2_5-.Ltmp2, $4  }
0x16a: {  	_ = 	snop  }
0x16b: {  	[tilespmem:s13+$0xE340] =	vst v32  }
0x16c: {  	v32 =	vld.idx.msk [tilespmem:v30+s13+$0x0 ss:$0x1], $0xffff  }
0x16d: {  	v33 =	vld.idx.msk [tilespmem:v31+s13+$0x0 ss:$0x1], $0xffff  }
0x16e: {  	_ =	sdelay $0x3  }
0x16f: {  	v1 =	vand.u32 $0x7FFFFFFF, v32;
	v2 =	vand.u32 $0x7FFFFFFF, v33  }
0x170: {  	vm0 =	vgt.u32 v1, $0x7F800000;
	vm1 =	vgt.u32 v2, $0x7F800000  }
0x171: {  	v1 =	vsel vm0, $0x0, v32;
	v2 =	vsel vm1, $0x0, v33  }
0x172: {  	v1 =	vmul.f32 v1, v20;
	v2 =	vmul.f32 v2, v21;
	_ =	sdelay $0x1  }
0x173: {  	v1 =	vadd.f32 v2, v1;
	_ =	sdelay $0x1  }
0x174: {  	[tilespmem:s13+$0xE3E8] =	vst v1  }
0x175: {  	v1 =	vld [tilespmem:s10+$0xB6E4]  }
0x176: {  	v41 =	vld [tilespmem:s11+$0xCB64];
	_ =	sdelay $0x4  }
0x177: {  	v10 =	vand.u32 $0x7FFFFFFF, v1;
	v11 =	vand.u32 $0x7FFFFFFF, v41  }
0x178: {  	vm12 =	vgt.u32 v10, $0x7F800000;
	vm13 =	vgt.u32 v11, $0x7F800000  }
0x179: {  	v1 =	vsel vm12, $0x0, v1;
	v2 =	vsel vm13, $0x0, v41  }
0x17a: {  	v0 =	vmul.f32 v1, v0;
	v42 =	vmul.f32 v2, v3;
	_ =	sdelay $0x1  }
0x17b: {  	v0 =	vadd.f32 v42, v0  }
0x17c: {  	s9 =	sadd.s32 $0x94, s9  }
0x17d: {  	s31 =	sadd.s32 $0x94, s12;
	s9 =	sand.u32 $0x3FC, s9;
	[tilespmem:$0xDFE4] =	vst v0  }
0x17e: {  	s11 =	sand.u32 $0x3FC, s31;
	v0 =	vld [tilespmem:s9+$0xB8E0]  }
0x17f: {  	v43 =	vld [tilespmem:s11+$0xCD60];
	_ =	sdelay $0x4  }
0x180: {  	v44 =	vand.u32 $0x7FFFFFFF, v0;
	v45 =	vand.u32 $0x7FFFFFFF, v43  }
0x181: {  	vm14 =	vgt.u32 v44, $0x7F800000;
	vm15 =	vgt.u32 v45, $0x7F800000  }
0x182: {  	v0 =	vsel vm14, $0x0, v0;
	v1 =	vsel vm15, $0x0, v43  }
0x183: {  	v0 =	vmul.f32 v0, v4;
	v1 =	vmul.f32 v1, v5;
	_ =	sdelay $0x1  }
0x184: {  	v0 =	vadd.f32 v1, v0  }
0x185: {  	s8 =	sadd.s32 $0x94, s8  }
0x186: {  	s12 =	sadd.s32 $0x94, s14;
	s8 =	sand.u32 $0x3FC, s8;
	[tilespmem:$0xE08C] =	vst v0  }
0x187: {  	s13 =	sand.u32 $0x3FC, s12;
	v0 =	vld [tilespmem:s8+$0xBB70]  }
0x188: {  	v46 =	vld [tilespmem:s13+$0xCFF0];
	_ =	sdelay $0x4  }
0x189: {  	v47 =	vand.u32 $0x7FFFFFFF, v0;
	v48 =	vand.u32 $0x7FFFFFFF, v46  }
0x18a: {  	vm4 =	vgt.u32 v47, $0x7F800000;
	vm5 =	vgt.u32 v48, $0x7F800000  }
0x18b: {  	v0 =	vsel vm4, $0x0, v0;
	v1 =	vsel vm5, $0x0, v46  }
0x18c: {  	v0 =	vmul.f32 v0, v6;
	v1 =	vmul.f32 v1, v7;
	_ =	sdelay $0x1  }
0x18d: {  	v0 =	vadd.f32 v1, v0  }
0x18e: {  	s7 =	sadd.s32 $0x94, s7  }
0x18f: {  	s14 =	sadd.s32 $0x94, s15;
	s7 =	sand.u32 $0x3FC, s7;
	[tilespmem:$0xE134] =	vst v0  }
0x190: {  	s15 =	sand.u32 $0x3FC, s14;
	v0 =	vld [tilespmem:s7+$0xBE00]  }
0x191: {  	v49 =	vld [tilespmem:s15+$0xD280];
	_ =	sdelay $0x4  }
0x192: {  	v50 =	vand.u32 $0x7FFFFFFF, v0;
	v51 =	vand.u32 $0x7FFFFFFF, v49  }
0x193: {  	vm6 =	vgt.u32 v50, $0x7F800000;
	vm7 =	vgt.u32 v51, $0x7F800000  }
0x194: {  	v0 =	vsel vm6, $0x0, v0;
	v1 =	vsel vm7, $0x0, v49  }
0x195: {  	v0 =	vmul.f32 v0, v8;
	v1 =	vmul.f32 v1, v9;
	_ =	sdelay $0x1  }
0x196: {  	v0 =	vadd.f32 v1, v0  }
0x197: {  	s6 =	sadd.s32 $0x94, s6  }
0x198: {  	s20 =	sadd.s32 $0x94, s16;
	s6 =	sand.u32 $0x3FC, s6;
	[tilespmem:$0xE1DC] =	vst v0  }
0x199: {  	s21 =	sand.u32 $0x3FC, s20;
	v0 =	vld [tilespmem:s6+$0xC090]  }
0x19a: {  	v52 =	vld [tilespmem:s21+$0xD510];
	_ =	sdelay $0x4  }
0x19b: {  	v53 =	vand.u32 $0x7FFFFFFF, v0;
	v54 =	vand.u32 $0x7FFFFFFF, v52  }
0x19c: {  	vm8 =	vgt.u32 v53, $0x7F800000;
	vm9 =	vgt.u32 v54, $0x7F800000  }
0x19d: {  	v0 =	vsel vm8, $0x0, v0;
	v1 =	vsel vm9, $0x0, v52  }
0x19e: {  	v0 =	vmul.f32 v0, v12;
	v1 =	vmul.f32 v1, v13;
	_ =	sdelay $0x1  }
0x19f: {  	v0 =	vadd.f32 v1, v0  }
0x1a0: {  	s5 =	sadd.s32 $0x94, s5  }
0x1a1: {  	s22 =	sadd.s32 $0x94, s17;
	s5 =	sand.u32 $0x3FC, s5;
	[tilespmem:$0xE284] =	vst v0  }
0x1a2: {  	s23 =	sand.u32 $0x3FC, s22;
	v0 =	vld [tilespmem:s5+$0xC320]  }
0x1a3: {  	v55 =	vld [tilespmem:s23+$0xD7A0];
	_ =	sdelay $0x4  }
0x1a4: {  	v56 =	vand.u32 $0x7FFFFFFF, v0;
	v57 =	vand.u32 $0x7FFFFFFF, v55  }
0x1a5: {  	vm10 =	vgt.u32 v56, $0x7F800000;
	vm11 =	vgt.u32 v57, $0x7F800000  }
0x1a6: {  	v0 =	vsel vm10, $0x0, v0;
	v1 =	vsel vm11, $0x0, v55  }
0x1a7: {  	v0 =	vmul.f32 v0, v14;
	v1 =	vmul.f32 v1, v15;
	_ =	sdelay $0x1  }
0x1a8: {  	v0 =	vadd.f32 v1, v0  }
0x1a9: {  	s4 =	sadd.s32 $0x94, s4  }
0x1aa: {  	s24 =	sadd.s32 $0x94, s18;
	s4 =	sand.u32 $0x3FC, s4;
	[tilespmem:$0xE32C] =	vst v0  }
0x1ab: {  	s25 =	sand.u32 $0x3FC, s24;
	v0 =	vld [tilespmem:s4+$0xC5B0]  }
0x1ac: {  	v58 =	vld [tilespmem:s25+$0xDA30];
	_ =	sdelay $0x4  }
0x1ad: {  	v59 =	vand.u32 $0x7FFFFFFF, v0;
	v60 =	vand.u32 $0x7FFFFFFF, v58  }
0x1ae: {  	vm12 =	vgt.u32 v59, $0x7F800000;
	vm13 =	vgt.u32 v60, $0x7F800000  }
0x1af: {  	v0 =	vsel vm12, $0x0, v0;
	v1 =	vsel vm13, $0x0, v58  }
0x1b0: {  	v0 =	vmul.f32 v0, v16;
	v1 =	vmul.f32 v1, v18;
	_ =	sdelay $0x1  }
0x1b1: {  	v0 =	vadd.f32 v1, v0  }
0x1b2: {  	s3 =	sadd.s32 $0x94, s3  }
0x1b3: {  	s26 =	sadd.s32 $0x94, s19;
	s3 =	sand.u32 $0x3FC, s3;
	[tilespmem:$0xE3D4] =	vst v0  }
0x1b4: {  	s28 =	sand.u32 $0x3FC, s26;
	v0 =	vld [tilespmem:s3+$0xC840]  }
0x1b5: {  	v61 =	vld [tilespmem:s28+$0xDCC0];
	_ =	sdelay $0x4  }
0x1b6: {  	v62 =	vand.u32 $0x7FFFFFFF, v0;
	v63 =	vand.u32 $0x7FFFFFFF, v61  }
0x1b7: {  	vm14 =	vgt.u32 v62, $0x7F800000;
	vm15 =	vgt.u32 v63, $0x7F800000  }
0x1b8: {  	v0 =	vsel vm14, $0x0, v0;
	v1 =	vsel vm15, $0x0, v61  }
0x1b9: {  	v0 =	vmul.f32 v0, v20;
	v1 =	vmul.f32 v1, v21;
	_ =	sdelay $0x1  }
0x1ba: {  	v0 =	vadd.f32 v1, v0;
	_ =	sdelay $0x1  }
0x1bb: {  	s29 =	simm.s32 $0x0;
	s30 =	simm.s32 $0xDF50;
	s31 =	simm.s32 $0x3;
	[tilespmem:$0xE47C] =	vst v0  }
0x1bc: {  	[hbm4b:s2+s29] =	stream.linear.scatter [tilespmem:s30], [sflag:$0x3], $0x540, $0x38;
	[tilespmem:$0xE5A0] =	vst v63  }
0x1bd: {  	_ =	swait.ge [sflag:s31], $0x540  }
0x1be: {  	[sflag:s31] =	ssyncset.done $0x0  }
0x1bf: {  	[sflag:s31] =	ssyncadd.s32 $0xFFFFFAC0  }
0x1c0: {  	_ =	sfence.sel $0x180000  }
0x1c1: {  	[bflag:$0x0] =	sbarrier.arrive $0xFFFF  }
0x1c2: {  	p0 =	sne.s32 s1, $0x0;
	_ =	strace $0x90000047  }
0x1c3: {  	s0 =	sadd.s32 @!p0 $0x100000, s0;
	[bflag:$0x2] =	sbarrier.arrive $0xFFFF  }
0x1c4: {  	[sflag:s0] =	ssyncadd.tile.s32 @!p0 $0x1;
	_ =	shalt  }
.Lfunc_end2:
_tile_overlayer_lowered:
.L_overlay_start_2:
0x1c5: {  	(tag) =	ssettag $0x2  }
0x1c6: {  	s0 =	rddreg [dreg:$0x0];
	s2 =	stileid.u32  }
0x1c7: {  	s1 =	rddreg [dreg:$0x1];
	p0 =	sne.s32 s2, $0x0  }
0x1c8: {  	s3 =	rddreg [dreg:$0x2];
	[bflag:$0x3] =	sbarrier.arrive $0xFFFF;
	s2 =	simm.s32 @!p0 $0x1C03  }
0x1c9: {  	[timem:s3], [sflag:s2] =	dma.local @!p0 [hbm:s0], s1  }
0x1ca: {  	s0 =	simm.s32 @!p0 $0x3  }
0x1cb: {  	_ =	swait.ge @!p0 [sflag:s0], s1  }
0x1cc: {  	s1 =	ssub.s32 @!p0 $0x0, s1;
	[sflag:s0] =	ssyncset.done @!p0 $0x0  }
0x1cd: {  	[sflag:s0] =	ssyncadd.s32 @!p0 s1  }
0x1ce: {  	[bflag:$0x3] =	sbarrier.arrive $0xFFFF  }
0x1cf: {  	_ =	shalt  }

</sc_bundles>
